<compile_context>
chip_gen: v7x
topology: tpu7x:2x2x1
jax: 0.10.2.dev20260603
libtpu: 0.0.44.dev20260713+nightly
codegen_flags: <defaults>
</compile_context>

<pallas_src>
import functools

import jax
import jax.numpy as jnp
from jax import lax
from jax.experimental import pallas as pl
from jax.experimental.pallas import tpu as pltpu
from jax.experimental.pallas import tpu_sc as plsc

BETA = 0.25


def _tree_min(a):
    n = a.shape[0]
    while n > 8:
        c = n // 8
        a = functools.reduce(jnp.minimum, [a[j * c:(j + 1) * c] for j in range(8)])
        n = c
    return jnp.min(a, axis=0, keepdims=True)


def _argmin_body(nk, bk, bm, x_ref, e_ref, xsq_ref, esq_ref, rows_ref,
                 idx_ref, minv_ref, mini_ref):
    k = pl.program_id(0)
    i = pl.program_id(1)
    x = x_ref[...]
    e = e_ref[...]

    cross_t = lax.dot_general(
        e, x, (((1,), (1,)), ((), ())),
        preferred_element_type=jnp.float32)
    xsq = xsq_ref[...]
    ch = 32
    dist_chunks = []
    macc = None
    for j in range(bk // ch):
        e_sq = esq_ref[j * ch:(j + 1) * ch, :]
        d_j = (xsq + e_sq) - 2.0 * cross_t[j * ch:(j + 1) * ch]
        dist_chunks.append(d_j)
        macc = d_j if macc is None else jnp.minimum(macc, d_j)
    m = _tree_min(macc)
    facc = None
    for j in range(bk // ch):
        s_j = jnp.where(dist_chunks[j] == m,
                        rows_ref[j * ch:(j + 1) * ch, :], float(bk))
        facc = s_j if facc is None else jnp.minimum(facc, s_j)
    first = _tree_min(facc)
    gidx = first.astype(jnp.int32) + k * bk
    sl = (slice(0, 1), pl.ds(i * bm, bm))

    @pl.when(k == 0)
    def _():
        minv_ref[sl] = m
        mini_ref[sl] = gidx

    @pl.when(k > 0)
    def _():
        better = m < minv_ref[sl]
        minv_ref[sl] = jnp.where(better, m, minv_ref[sl])
        mini_ref[sl] = jnp.where(better, gidx, mini_ref[sl])

    @pl.when(k == nk - 1)
    def _():
        idx_ref[0, 0, :] = mini_ref[sl][0]


def _nearest_code(x_flat, embed_weight, xsq, esq, bm=1024, bk=2048):
    m, d = x_flat.shape
    kk, _ = embed_weight.shape
    nm, nk = m // bm, kk // bk
    rows = lax.broadcasted_iota(jnp.int32, (bk, bm), 0).astype(jnp.float32)
    idx3 = pl.pallas_call(
        functools.partial(_argmin_body, nk, bk, bm),
        grid=(nk, nm),
        in_specs=[
            pl.BlockSpec((bm, d), lambda k, i: (i, 0)),
            pl.BlockSpec((bk, d), lambda k, i: (k, 0)),
            pl.BlockSpec((1, bm), lambda k, i: (0, i)),
            pl.BlockSpec((bk, 1), lambda k, i: (k, 0)),
            pl.BlockSpec((bk, bm), lambda k, i: (0, 0)),
        ],
        out_specs=pl.BlockSpec((1, 1, bm), lambda k, i: (i, 0, 0)),
        out_shape=jax.ShapeDtypeStruct((nm, 1, bm), jnp.int32),
        scratch_shapes=[
            pltpu.VMEM((1, m), jnp.float32),
            pltpu.VMEM((1, m), jnp.int32),
        ],
        compiler_params=pltpu.CompilerParams(
            dimension_semantics=("arbitrary", "arbitrary")),
    )(x_flat, embed_weight, xsq, esq, rows)
    return idx3.reshape(m)


def _gather_rows(embed_weight, inds):
    kk, d = embed_weight.shape
    m = inds.shape[0]
    info = plsc.get_sparse_core_info()
    nc, ns = info.num_cores, info.num_subcores
    nw = nc * ns
    b_per_w = m // nw
    nchunk = b_per_w // 128
    idx2 = inds.reshape(m // 128, 128)
    mesh = plsc.VectorSubcoreMesh(core_axis_name="c", subcore_axis_name="s")

    @functools.partial(
        pl.kernel, mesh=mesh,
        out_type=jax.ShapeDtypeStruct((m, d), jnp.float32),
        scratch_types=[
            pltpu.VMEM((nchunk, 128), jnp.int32),
            pltpu.VMEM((b_per_w, d), jnp.float32),
            pltpu.SemaphoreType.DMA,
        ],
    )
    def gather_kernel(table_hbm, idx_hbm, out_hbm, idx_v, rows_v, sem):
        wid = lax.axis_index("s") * nc + lax.axis_index("c")
        pltpu.sync_copy(idx_hbm.at[pl.ds(wid * nchunk, nchunk)], idx_v)
        copies = []
        for j in range(nchunk):
            copies.append(pltpu.async_copy(
                table_hbm.at[idx_v.at[j]],
                rows_v.at[pl.ds(j * 128, 128)], sem))
        for cp in copies:
            cp.wait()
        pltpu.sync_copy(rows_v, out_hbm.at[pl.ds(wid * b_per_w, b_per_w)])

    return gather_kernel(embed_weight, idx2)


def _assemble_body(nb, inv_n, xq_ref, x_ref, out_ref, loss_ref, acc_ref):
    b = pl.program_id(0)
    xq_t = xq_ref[0].T
    x = x_ref[0]
    out_ref[0] = x + (xq_t - x)
    t = xq_t - x
    t2 = t * t
    v = t2 * BETA + t2
    s = jnp.sum(v)

    @pl.when(b == 0)
    def _():
        acc_ref[0, 0] = s

    @pl.when(b > 0)
    def _():
        acc_ref[0, 0] = acc_ref[0, 0] + s

    @pl.when(b == nb - 1)
    def _():
        loss_ref[...] = jnp.broadcast_to(acc_ref[0, 0] * inv_n, (1, 1))


def _assemble(xq_rows, x_lat3):
    b, c, hw = x_lat3.shape
    xq3 = xq_rows.reshape(b, hw, c)
    n = b * c * hw
    out3, loss = pl.pallas_call(
        functools.partial(_assemble_body, b, 1.0 / n),
        grid=(b,),
        in_specs=[
            pl.BlockSpec((1, hw, c), lambda i: (i, 0, 0)),
            pl.BlockSpec((1, c, hw), lambda i: (i, 0, 0)),
        ],
        out_specs=[
            pl.BlockSpec((1, c, hw), lambda i: (i, 0, 0)),
            pl.BlockSpec((1, 1), lambda i: (0, 0)),
        ],
        out_shape=[
            jax.ShapeDtypeStruct((b, c, hw), jnp.float32),
            jax.ShapeDtypeStruct((1, 1), jnp.float32),
        ],
        scratch_shapes=[pltpu.SMEM((1, 1), jnp.float32)],
        compiler_params=pltpu.CompilerParams(
            dimension_semantics=("arbitrary",)),
    )(xq3, x_lat3)
    return out3, loss[0, 0]


def kernel(x_latent, embed_weight):
    b, c, h, w = x_latent.shape
    x_lat3 = x_latent.reshape(b, c, h * w)
    x_flat3 = jnp.transpose(x_lat3, (0, 2, 1))
    x_sq = jnp.sum(x_flat3 ** 2, axis=-1, keepdims=True)
    e_sq = jnp.sum(embed_weight ** 2, axis=-1)
    x_flat = x_flat3.reshape(b * h * w, c)
    inds = _nearest_code(x_flat, embed_weight,
                         x_sq.reshape(1, b * h * w), e_sq.reshape(-1, 1))
    xq_rows = _gather_rows(embed_weight, inds)
    out3, loss = _assemble(xq_rows, x_lat3)
    return out3.reshape(b, c, h, w), loss

# --- scband reference (transcript-rebuilt; emitter-appended) ---
"""Pipeline reference for scband-vector-quantizer-41661182771666 (READ-ONLY COPY).

The authoritative reference and input builder live on the scoring server;
editing this copy changes nothing except your own understanding.
"""

import jax, jax.numpy as jnp
import numpy as np

NUM_EMBEDS = 8192
EMBED_DIM = 256
BETA = 0.25


def setup_inputs(seed: int = 0) -> dict:
    key = jax.random.key(seed)
    k1, k2 = jax.random.split(key)
    x_latent = jax.random.normal(k1, (8, 256, 32, 32), dtype=jnp.float32)
    embed_weight = jax.random.uniform(
        k2, (NUM_EMBEDS, EMBED_DIM), dtype=jnp.float32,
        minval=-1.0 / NUM_EMBEDS, maxval=1.0 / NUM_EMBEDS)
    return {"x_latent": x_latent, "embed_weight": embed_weight}


def reference(x_latent, embed_weight):
    B, C, H, W = x_latent.shape
    # b c h w -> b (h w) c
    x_flat = jnp.transpose(x_latent.reshape(B, C, H * W), (0, 2, 1))
    # squared euclidean distance (cdist(p=2)**2)
    x_sq = jnp.sum(x_flat ** 2, axis=-1, keepdims=True)            # [B, HW, 1]
    e_sq = jnp.sum(embed_weight ** 2, axis=-1)                     # [K]
    cross = jnp.einsum('bnc,ec->bne', x_flat, embed_weight)        # [B, HW, K]
    dist = x_sq + e_sq[None, None, :] - 2.0 * cross
    encoding_inds = jnp.argmin(dist, axis=-1)                      # [B, HW]
    x_q = jnp.take(embed_weight, encoding_inds, axis=0)           # [B, HW, C]
    # b (h w) d -> b d h w
    x_q = jnp.transpose(x_q, (0, 2, 1)).reshape(B, C, H, W)
    sg = jax.lax.stop_gradient
    vq_loss = (sg(x_q) - x_latent) ** 2 * BETA + (x_q - sg(x_latent)) ** 2
    x_q_out = x_latent + sg(x_q - x_latent)
    return (x_q_out, jnp.mean(vq_loss))

if __name__ == "__main__":
    import jax
    _d = setup_inputs()
    print(jax.jit(kernel)(*tuple(_d.values())))

</pallas_src>

<mosaic_0001>
#map = affine_map<(d0, d1) -> (0, 0)>
module attributes {stable_mosaic.version = 14 : i64} {
  func.func @gather_kernel(%arg0: i32, %arg1: i32, %arg2: memref<8192x256xf32, #tpu.memory_space<hbm>>, %arg3: memref<64x128xi32, #tpu.memory_space<hbm>>, %arg4: memref<8192x256xf32, #tpu.memory_space<hbm>>, %arg5: memref<2x128xi32, #tpu.memory_space<vmem>>, %arg6: memref<256x256xf32, #tpu.memory_space<vmem>>, %arg7: memref<!tpu.dma_semaphore, #tpu.memory_space<semaphore_mem>>) attributes {dimension_semantics = [#tpu.dimension_semantics<core_parallel>, #tpu.dimension_semantics<subcore_parallel>], iteration_bounds = array<i64: 2, 16>, scalar_prefetch = 0 : i64, scratch_operands = 3 : i64, tpu.core_type = #tpu.core_type<sc_vector_subcore>, window_params = [{transform_indices = #map}, {transform_indices = #map}, {transform_indices = #map}]} {
    %mul3A = arith.constant 2 : i32
    %mul3A_0 = arith.muli %arg1, %mul3A : i32
    %add3A = arith.addi %mul3A_0, %arg0 : i32
    %mul3A_1 = arith.constant 2 : i32
    %mul3A_2 = arith.muli %add3A, %mul3A_1 : i32
    "tpu.region"() ({
      %run_scoped3A = tpu.sem_alloc : memref<!tpu.dma_semaphore, #tpu.memory_space<semaphore_mem>>
      %dma_start3A_43 = arith.constant 0 : i32
      %dma_start3A_44 = tpu.memref_slice %arg3[%mul3A_2, %dma_start3A_43] : memref<64x128xi32, #tpu.memory_space<hbm>> -> memref<2x128xi32, #tpu.memory_space<hbm>>
      %dma_start3A_45 = arith.constant 0 : i32
      %dma_start3A_46 = tpu.memref_slice %arg3[%mul3A_2, %dma_start3A_45] : memref<64x128xi32, #tpu.memory_space<hbm>> -> memref<2x128xi32, #tpu.memory_space<hbm>>
      tpu.enqueue_dma source(%dma_start3A_46 : memref<2x128xi32, #tpu.memory_space<hbm>>) target(%arg5 : memref<2x128xi32, #tpu.memory_space<vmem>>) target_semaphore(%run_scoped3A : memref<!tpu.dma_semaphore, #tpu.memory_space<semaphore_mem>>)
      %dma_wait3A_47 = arith.constant 0 : i32
      %dma_wait3A_48 = tpu.memref_slice %arg3[%mul3A_2, %dma_wait3A_47] : memref<64x128xi32, #tpu.memory_space<hbm>> -> memref<2x128xi32, #tpu.memory_space<hbm>>
      %dma_wait3A_49 = arith.constant 0 : i32
      %dma_wait3A_50 = tpu.memref_slice %arg3[%mul3A_2, %dma_wait3A_49] : memref<64x128xi32, #tpu.memory_space<hbm>> -> memref<2x128xi32, #tpu.memory_space<hbm>>
      tpu.wait_dma2 semaphore(%run_scoped3A : memref<!tpu.dma_semaphore, #tpu.memory_space<semaphore_mem>>) src(%dma_wait3A_50 : memref<2x128xi32, #tpu.memory_space<hbm>>) dst(%arg5 : memref<2x128xi32, #tpu.memory_space<vmem>>)
      tpu.yield
    }) : () -> ()
    %dma_start3A = arith.constant 0 : i32
    %dma_start3A_3 = arith.constant 0 : i32
    %dma_start3A_4 = arith.constant 0 : i32
    %dma_start3A_5 = tpu.memref_slice %arg6[%dma_start3A_3, %dma_start3A_4] : memref<256x256xf32, #tpu.memory_space<vmem>> -> memref<128x256xf32, #tpu.memory_space<vmem>>
    %dma_start3A_6 = arith.constant 0 : i32
    %dma_start3A_7 = tpu.memref_slice %arg5[%dma_start3A, %dma_start3A_6] : memref<2x128xi32, #tpu.memory_space<vmem>> -> memref<1x128xi32, #tpu.memory_space<vmem>>
    %dma_start3A_8 = tpu.memref_squeeze %dma_start3A_7 : memref<1x128xi32, #tpu.memory_space<vmem>> -> memref<128xi32, #tpu.memory_space<vmem>>
    %dma_start3A_9 = arith.constant 0 : i32
    %dma_start3A_10 = arith.constant 0 : i32
    %dma_start3A_11 = tpu.memref_slice %arg2[%dma_start3A_9, %dma_start3A_10] : memref<8192x256xf32, #tpu.memory_space<hbm>> -> memref<8192x256xf32, #tpu.memory_space<hbm>>
    tpu.enqueue_indirect_dma source(%dma_start3A_11 : memref<8192x256xf32, #tpu.memory_space<hbm>>) target(%dma_start3A_5 : memref<128x256xf32, #tpu.memory_space<vmem>>) offsets(%dma_start3A_8 : memref<128xi32, #tpu.memory_space<vmem>>) semaphore(%arg7 : memref<!tpu.dma_semaphore, #tpu.memory_space<semaphore_mem>>)
    %dma_start3A_12 = arith.constant 1 : i32
    %dma_start3A_13 = arith.constant 128 : i32
    %dma_start3A_14 = arith.constant 0 : i32
    %dma_start3A_15 = tpu.memref_slice %arg6[%dma_start3A_13, %dma_start3A_14] : memref<256x256xf32, #tpu.memory_space<vmem>> -> memref<128x256xf32, #tpu.memory_space<vmem>>
    %dma_start3A_16 = arith.constant 0 : i32
    %dma_start3A_17 = tpu.memref_slice %arg5[%dma_start3A_12, %dma_start3A_16] : memref<2x128xi32, #tpu.memory_space<vmem>> -> memref<1x128xi32, #tpu.memory_space<vmem>>
    %dma_start3A_18 = tpu.memref_squeeze %dma_start3A_17 : memref<1x128xi32, #tpu.memory_space<vmem>> -> memref<128xi32, #tpu.memory_space<vmem>>
    %dma_start3A_19 = arith.constant 0 : i32
    %dma_start3A_20 = arith.constant 0 : i32
    %dma_start3A_21 = tpu.memref_slice %arg2[%dma_start3A_19, %dma_start3A_20] : memref<8192x256xf32, #tpu.memory_space<hbm>> -> memref<8192x256xf32, #tpu.memory_space<hbm>>
    tpu.enqueue_indirect_dma source(%dma_start3A_21 : memref<8192x256xf32, #tpu.memory_space<hbm>>) target(%dma_start3A_15 : memref<128x256xf32, #tpu.memory_space<vmem>>) offsets(%dma_start3A_18 : memref<128xi32, #tpu.memory_space<vmem>>) semaphore(%arg7 : memref<!tpu.dma_semaphore, #tpu.memory_space<semaphore_mem>>)
    %dma_wait3A = arith.constant 0 : i32
    %dma_wait3A_22 = arith.constant 0 : i32
    %dma_wait3A_23 = arith.constant 0 : i32
    %dma_wait3A_24 = tpu.memref_slice %arg6[%dma_wait3A_22, %dma_wait3A_23] : memref<256x256xf32, #tpu.memory_space<vmem>> -> memref<128x256xf32, #tpu.memory_space<vmem>>
    %dma_wait3A_25 = arith.constant 0 : i32
    %dma_wait3A_26 = tpu.memref_slice %arg5[%dma_wait3A, %dma_wait3A_25] : memref<2x128xi32, #tpu.memory_space<vmem>> -> memref<1x128xi32, #tpu.memory_space<vmem>>
    %dma_wait3A_27 = tpu.memref_squeeze %dma_wait3A_26 : memref<1x128xi32, #tpu.memory_space<vmem>> -> memref<128xi32, #tpu.memory_space<vmem>>
    %dma_wait3A_28 = arith.constant 0 : i32
    %dma_wait3A_29 = arith.constant 0 : i32
    %dma_wait3A_30 = tpu.memref_slice %arg2[%dma_wait3A_28, %dma_wait3A_29] : memref<8192x256xf32, #tpu.memory_space<hbm>> -> memref<8192x256xf32, #tpu.memory_space<hbm>>
    tpu.wait_indirect_dma semaphore(%arg7 : memref<!tpu.dma_semaphore, #tpu.memory_space<semaphore_mem>>) src(%dma_wait3A_30 : memref<8192x256xf32, #tpu.memory_space<hbm>>) dst(%dma_wait3A_24 : memref<128x256xf32, #tpu.memory_space<vmem>>)
    %dma_wait3A_31 = arith.constant 1 : i32
    %dma_wait3A_32 = arith.constant 128 : i32
    %dma_wait3A_33 = arith.constant 0 : i32
    %dma_wait3A_34 = tpu.memref_slice %arg6[%dma_wait3A_32, %dma_wait3A_33] : memref<256x256xf32, #tpu.memory_space<vmem>> -> memref<128x256xf32, #tpu.memory_space<vmem>>
    %dma_wait3A_35 = arith.constant 0 : i32
    %dma_wait3A_36 = tpu.memref_slice %arg5[%dma_wait3A_31, %dma_wait3A_35] : memref<2x128xi32, #tpu.memory_space<vmem>> -> memref<1x128xi32, #tpu.memory_space<vmem>>
    %dma_wait3A_37 = tpu.memref_squeeze %dma_wait3A_36 : memref<1x128xi32, #tpu.memory_space<vmem>> -> memref<128xi32, #tpu.memory_space<vmem>>
    %dma_wait3A_38 = arith.constant 0 : i32
    %dma_wait3A_39 = arith.constant 0 : i32
    %dma_wait3A_40 = tpu.memref_slice %arg2[%dma_wait3A_38, %dma_wait3A_39] : memref<8192x256xf32, #tpu.memory_space<hbm>> -> memref<8192x256xf32, #tpu.memory_space<hbm>>
    tpu.wait_indirect_dma semaphore(%arg7 : memref<!tpu.dma_semaphore, #tpu.memory_space<semaphore_mem>>) src(%dma_wait3A_40 : memref<8192x256xf32, #tpu.memory_space<hbm>>) dst(%dma_wait3A_34 : memref<128x256xf32, #tpu.memory_space<vmem>>)
    %mul3A_41 = arith.constant 256 : i32
    %mul3A_42 = arith.muli %add3A, %mul3A_41 : i32
    "tpu.region"() ({
      %run_scoped3A = tpu.sem_alloc : memref<!tpu.dma_semaphore, #tpu.memory_space<semaphore_mem>>
      %dma_start3A_43 = arith.constant 0 : i32
      %dma_start3A_44 = tpu.memref_slice %arg4[%mul3A_42, %dma_start3A_43] : memref<8192x256xf32, #tpu.memory_space<hbm>> -> memref<256x256xf32, #tpu.memory_space<hbm>>
      %dma_start3A_45 = arith.constant 0 : i32
      %dma_start3A_46 = tpu.memref_slice %arg4[%mul3A_42, %dma_start3A_45] : memref<8192x256xf32, #tpu.memory_space<hbm>> -> memref<256x256xf32, #tpu.memory_space<hbm>>
      tpu.enqueue_dma source(%arg6 : memref<256x256xf32, #tpu.memory_space<vmem>>) target(%dma_start3A_46 : memref<256x256xf32, #tpu.memory_space<hbm>>) target_semaphore(%run_scoped3A : memref<!tpu.dma_semaphore, #tpu.memory_space<semaphore_mem>>)
      %dma_wait3A_47 = arith.constant 0 : i32
      %dma_wait3A_48 = tpu.memref_slice %arg4[%mul3A_42, %dma_wait3A_47] : memref<8192x256xf32, #tpu.memory_space<hbm>> -> memref<256x256xf32, #tpu.memory_space<hbm>>
      %dma_wait3A_49 = arith.constant 0 : i32
      %dma_wait3A_50 = tpu.memref_slice %arg4[%mul3A_42, %dma_wait3A_49] : memref<8192x256xf32, #tpu.memory_space<hbm>> -> memref<256x256xf32, #tpu.memory_space<hbm>>
      tpu.wait_dma2 semaphore(%run_scoped3A : memref<!tpu.dma_semaphore, #tpu.memory_space<semaphore_mem>>) src(%arg6 : memref<256x256xf32, #tpu.memory_space<vmem>>) dst(%dma_wait3A_50 : memref<256x256xf32, #tpu.memory_space<hbm>>)
      tpu.yield
    }) : () -> ()
    return
  }
}

module attributes {stable_mosaic.version = 14 : i64} {
  func.func @_argmin_body(%arg0: i32, %arg1: i32, %arg2: memref<1024x256xf32, #tpu.memory_space<vmem>>, %arg3: memref<2048x256xf32, #tpu.memory_space<vmem>>, %arg4: memref<1x1024xf32, #tpu.memory_space<vmem>>, %arg5: memref<2048x1xf32, #tpu.memory_space<vmem>>, %arg6: memref<2048x1024xf32, #tpu.memory_space<vmem>>, %arg7: memref<1x1x1024xi32, #tpu.memory_space<vmem>>, %arg8: memref<1x8192xf32, #tpu.memory_space<vmem>>, %arg9: memref<1x8192xi32, #tpu.memory_space<vmem>>) attributes {dimension_semantics = [#tpu.dimension_semantics<arbitrary>, #tpu.dimension_semantics<arbitrary>], iteration_bounds = array<i64: 4, 8>, scalar_prefetch = 0 : i64, scratch_operands = 2 : i64, tpu.core_type = #tpu.core_type<tc>, window_params = [{transform_indices = @transform_0, window_bounds = array<i64: 1024, 256>}, {transform_indices = @transform_1, window_bounds = array<i64: 2048, 256>}, {transform_indices = @transform_2, window_bounds = array<i64: 1, 1024>}, {transform_indices = @transform_3, window_bounds = array<i64: 2048, 1>}, {pipeline_mode = #tpu.pipeline_mode<synchronous>, transform_indices = @transform_4, window_bounds = array<i64: 2048, 1024>}, {transform_indices = @transform_5, window_bounds = array<i64: 1, 1, 1024>}]} {
    %get3A = arith.constant 0 : index
    %get3A_0 = arith.constant 0 : index
    %get3A_1 = vector.load %arg2[%get3A, %get3A_0] : memref<1024x256xf32, #tpu.memory_space<vmem>>, vector<1024x256xf32>
    %get3A_2 = arith.constant 0 : index
    %get3A_3 = arith.constant 0 : index
    %get3A_4 = vector.load %arg3[%get3A_2, %get3A_3] : memref<2048x256xf32, #tpu.memory_space<vmem>>, vector<2048x256xf32>
    %dot_general3A = arith.constant dense<0.000000e+00> : vector<2048x1024xf32>
    %dot_general3A_5 = tpu.matmul %get3A_4, %get3A_1, %dot_general3A {dimension_numbers = #tpu.dot_dimension_numbers<[1], [1], [0], [0], [0, 0, 1, 0], [], []>, transpose_lhs_hint = false} : vector<2048x256xf32>, vector<1024x256xf32>, vector<2048x1024xf32> -> vector<2048x1024xf32>
    %get3A_6 = arith.constant 0 : index
    %get3A_7 = arith.constant 0 : index
    %get3A_8 = vector.load %arg4[%get3A_6, %get3A_7] : memref<1x1024xf32, #tpu.memory_space<vmem>>, vector<1x1024xf32>
    %get3A_9 = arith.constant 0 : index
    %get3A_10 = arith.constant 0 : index
    %get3A_11 = vector.load %arg5[%get3A_9, %get3A_10] : memref<2048x1xf32, #tpu.memory_space<vmem>>, vector<32x1xf32>
    %add3A = vector.broadcast %get3A_8 : vector<1x1024xf32> to vector<32x1024xf32>
    %add3A_12 = vector.broadcast %get3A_11 : vector<32x1xf32> to vector<32x1024xf32>
    %add3A_13 = arith.addf %add3A, %add3A_12 : vector<32x1024xf32>
    %slice3A = vector.extract_strided_slice %dot_general3A_5 {offsets = [0, 0], sizes = [32, 1024], strides = [1, 1]} : vector<2048x1024xf32> to vector<32x1024xf32>
    %mul3A = arith.constant 2.000000e+00 : f32
    %mul3A_14 = vector.broadcast %mul3A : f32 to vector<32x1024xf32>
    %mul3A_15 = arith.mulf %mul3A_14, %slice3A : vector<32x1024xf32>
    %sub3A = arith.subf %add3A_13, %mul3A_15 : vector<32x1024xf32>
    %get3A_16 = arith.constant 32 : index
    %get3A_17 = arith.constant 0 : index
    %get3A_18 = vector.load %arg5[%get3A_16, %get3A_17] : memref<2048x1xf32, #tpu.memory_space<vmem>>, vector<32x1xf32>
    %add3A_19 = vector.broadcast %get3A_8 : vector<1x1024xf32> to vector<32x1024xf32>
    %add3A_20 = vector.broadcast %get3A_18 : vector<32x1xf32> to vector<32x1024xf32>
    %add3A_21 = arith.addf %add3A_19, %add3A_20 : vector<32x1024xf32>
    %slice3A_22 = vector.extract_strided_slice %dot_general3A_5 {offsets = [32, 0], sizes = [32, 1024], strides = [1, 1]} : vector<2048x1024xf32> to vector<32x1024xf32>
    %mul3A_23 = arith.constant 2.000000e+00 : f32
    %mul3A_24 = vector.broadcast %mul3A_23 : f32 to vector<32x1024xf32>
    %mul3A_25 = arith.mulf %mul3A_24, %slice3A_22 : vector<32x1024xf32>
    %sub3A_26 = arith.subf %add3A_21, %mul3A_25 : vector<32x1024xf32>
    %min3A = arith.minimumf %sub3A, %sub3A_26 : vector<32x1024xf32>
    %get3A_27 = arith.constant 64 : index
    %get3A_28 = arith.constant 0 : index
    %get3A_29 = vector.load %arg5[%get3A_27, %get3A_28] : memref<2048x1xf32, #tpu.memory_space<vmem>>, vector<32x1xf32>
    %add3A_30 = vector.broadcast %get3A_8 : vector<1x1024xf32> to vector<32x1024xf32>
    %add3A_31 = vector.broadcast %get3A_29 : vector<32x1xf32> to vector<32x1024xf32>
    %add3A_32 = arith.addf %add3A_30, %add3A_31 : vector<32x1024xf32>
    %slice3A_33 = vector.extract_strided_slice %dot_general3A_5 {offsets = [64, 0], sizes = [32, 1024], strides = [1, 1]} : vector<2048x1024xf32> to vector<32x1024xf32>
    %mul3A_34 = arith.constant 2.000000e+00 : f32
    %mul3A_35 = vector.broadcast %mul3A_34 : f32 to vector<32x1024xf32>
    %mul3A_36 = arith.mulf %mul3A_35, %slice3A_33 : vector<32x1024xf32>
    %sub3A_37 = arith.subf %add3A_32, %mul3A_36 : vector<32x1024xf32>
    %min3A_38 = arith.minimumf %min3A, %sub3A_37 : vector<32x1024xf32>
    %get3A_39 = arith.constant 96 : index
    %get3A_40 = arith.constant 0 : index
    %get3A_41 = vector.load %arg5[%get3A_39, %get3A_40] : memref<2048x1xf32, #tpu.memory_space<vmem>>, vector<32x1xf32>
    %add3A_42 = vector.broadcast %get3A_8 : vector<1x1024xf32> to vector<32x1024xf32>
    %add3A_43 = vector.broadcast %get3A_41 : vector<32x1xf32> to vector<32x1024xf32>
    %add3A_44 = arith.addf %add3A_42, %add3A_43 : vector<32x1024xf32>
    %slice3A_45 = vector.extract_strided_slice %dot_general3A_5 {offsets = [96, 0], sizes = [32, 1024], strides = [1, 1]} : vector<2048x1024xf32> to vector<32x1024xf32>
    %mul3A_46 = arith.constant 2.000000e+00 : f32
    %mul3A_47 = vector.broadcast %mul3A_46 : f32 to vector<32x1024xf32>
    %mul3A_48 = arith.mulf %mul3A_47, %slice3A_45 : vector<32x1024xf32>
    %sub3A_49 = arith.subf %add3A_44, %mul3A_48 : vector<32x1024xf32>
    %min3A_50 = arith.minimumf %min3A_38, %sub3A_49 : vector<32x1024xf32>
    %get3A_51 = arith.constant 128 : index
    %get3A_52 = arith.constant 0 : index
    %get3A_53 = vector.load %arg5[%get3A_51, %get3A_52] : memref<2048x1xf32, #tpu.memory_space<vmem>>, vector<32x1xf32>
    %add3A_54 = vector.broadcast %get3A_8 : vector<1x1024xf32> to vector<32x1024xf32>
    %add3A_55 = vector.broadcast %get3A_53 : vector<32x1xf32> to vector<32x1024xf32>
    %add3A_56 = arith.addf %add3A_54, %add3A_55 : vector<32x1024xf32>
    %slice3A_57 = vector.extract_strided_slice %dot_general3A_5 {offsets = [128, 0], sizes = [32, 1024], strides = [1, 1]} : vector<2048x1024xf32> to vector<32x1024xf32>
    %mul3A_58 = arith.constant 2.000000e+00 : f32
    %mul3A_59 = vector.broadcast %mul3A_58 : f32 to vector<32x1024xf32>
    %mul3A_60 = arith.mulf %mul3A_59, %slice3A_57 : vector<32x1024xf32>
    %sub3A_61 = arith.subf %add3A_56, %mul3A_60 : vector<32x1024xf32>
    %min3A_62 = arith.minimumf %min3A_50, %sub3A_61 : vector<32x1024xf32>
    %get3A_63 = arith.constant 160 : index
    %get3A_64 = arith.constant 0 : index
    %get3A_65 = vector.load %arg5[%get3A_63, %get3A_64] : memref<2048x1xf32, #tpu.memory_space<vmem>>, vector<32x1xf32>
    %add3A_66 = vector.broadcast %get3A_8 : vector<1x1024xf32> to vector<32x1024xf32>
    %add3A_67 = vector.broadcast %get3A_65 : vector<32x1xf32> to vector<32x1024xf32>
    %add3A_68 = arith.addf %add3A_66, %add3A_67 : vector<32x1024xf32>
    %slice3A_69 = vector.extract_strided_slice %dot_general3A_5 {offsets = [160, 0], sizes = [32, 1024], strides = [1, 1]} : vector<2048x1024xf32> to vector<32x1024xf32>
    %mul3A_70 = arith.constant 2.000000e+00 : f32
    %mul3A_71 = vector.broadcast %mul3A_70 : f32 to vector<32x1024xf32>
    %mul3A_72 = arith.mulf %mul3A_71, %slice3A_69 : vector<32x1024xf32>
    %sub3A_73 = arith.subf %add3A_68, %mul3A_72 : vector<32x1024xf32>
    %min3A_74 = arith.minimumf %min3A_62, %sub3A_73 : vector<32x1024xf32>
    %get3A_75 = arith.constant 192 : index
    %get3A_76 = arith.constant 0 : index
    %get3A_77 = vector.load %arg5[%get3A_75, %get3A_76] : memref<2048x1xf32, #tpu.memory_space<vmem>>, vector<32x1xf32>
    %add3A_78 = vector.broadcast %get3A_8 : vector<1x1024xf32> to vector<32x1024xf32>
    %add3A_79 = vector.broadcast %get3A_77 : vector<32x1xf32> to vector<32x1024xf32>
    %add3A_80 = arith.addf %add3A_78, %add3A_79 : vector<32x1024xf32>
    %slice3A_81 = vector.extract_strided_slice %dot_general3A_5 {offsets = [192, 0], sizes = [32, 1024], strides = [1, 1]} : vector<2048x1024xf32> to vector<32x1024xf32>
    %mul3A_82 = arith.constant 2.000000e+00 : f32
    %mul3A_83 = vector.broadcast %mul3A_82 : f32 to vector<32x1024xf32>
    %mul3A_84 = arith.mulf %mul3A_83, %slice3A_81 : vector<32x1024xf32>
    %sub3A_85 = arith.subf %add3A_80, %mul3A_84 : vector<32x1024xf32>
    %min3A_86 = arith.minimumf %min3A_74, %sub3A_85 : vector<32x1024xf32>
    %get3A_87 = arith.constant 224 : index
    %get3A_88 = arith.constant 0 : index
    %get3A_89 = vector.load %arg5[%get3A_87, %get3A_88] : memref<2048x1xf32, #tpu.memory_space<vmem>>, vector<32x1xf32>
    %add3A_90 = vector.broadcast %get3A_8 : vector<1x1024xf32> to vector<32x1024xf32>
    %add3A_91 = vector.broadcast %get3A_89 : vector<32x1xf32> to vector<32x1024xf32>
    %add3A_92 = arith.addf %add3A_90, %add3A_91 : vector<32x1024xf32>
    %slice3A_93 = vector.extract_strided_slice %dot_general3A_5 {offsets = [224, 0], sizes = [32, 1024], strides = [1, 1]} : vector<2048x1024xf32> to vector<32x1024xf32>
    %mul3A_94 = arith.constant 2.000000e+00 : f32
    %mul3A_95 = vector.broadcast %mul3A_94 : f32 to vector<32x1024xf32>
    %mul3A_96 = arith.mulf %mul3A_95, %slice3A_93 : vector<32x1024xf32>
    %sub3A_97 = arith.subf %add3A_92, %mul3A_96 : vector<32x1024xf32>
    %min3A_98 = arith.minimumf %min3A_86, %sub3A_97 : vector<32x1024xf32>
    %get3A_99 = arith.constant 256 : index
    %get3A_100 = arith.constant 0 : index
    %get3A_101 = vector.load %arg5[%get3A_99, %get3A_100] : memref<2048x1xf32, #tpu.memory_space<vmem>>, vector<32x1xf32>
    %add3A_102 = vector.broadcast %get3A_8 : vector<1x1024xf32> to vector<32x1024xf32>
    %add3A_103 = vector.broadcast %get3A_101 : vector<32x1xf32> to vector<32x1024xf32>
    %add3A_104 = arith.addf %add3A_102, %add3A_103 : vector<32x1024xf32>
    %slice3A_105 = vector.extract_strided_slice %dot_general3A_5 {offsets = [256, 0], sizes = [32, 1024], strides = [1, 1]} : vector<2048x1024xf32> to vector<32x1024xf32>
    %mul3A_106 = arith.constant 2.000000e+00 : f32
    %mul3A_107 = vector.broadcast %mul3A_106 : f32 to vector<32x1024xf32>
    %mul3A_108 = arith.mulf %mul3A_107, %slice3A_105 : vector<32x1024xf32>
    %sub3A_109 = arith.subf %add3A_104, %mul3A_108 : vector<32x1024xf32>
    %min3A_110 = arith.minimumf %min3A_98, %sub3A_109 : vector<32x1024xf32>
    %get3A_111 = arith.constant 288 : index
    %get3A_112 = arith.constant 0 : index
    %get3A_113 = vector.load %arg5[%get3A_111, %get3A_112] : memref<2048x1xf32, #tpu.memory_space<vmem>>, vector<32x1xf32>
    %add3A_114 = vector.broadcast %get3A_8 : vector<1x1024xf32> to vector<32x1024xf32>
    %add3A_115 = vector.broadcast %get3A_113 : vector<32x1xf32> to vector<32x1024xf32>
    %add3A_116 = arith.addf %add3A_114, %add3A_115 : vector<32x1024xf32>
    %slice3A_117 = vector.extract_strided_slice %dot_general3A_5 {offsets = [288, 0], sizes = [32, 1024], strides = [1, 1]} : vector<2048x1024xf32> to vector<32x1024xf32>
    %mul3A_118 = arith.constant 2.000000e+00 : f32
    %mul3A_119 = vector.broadcast %mul3A_118 : f32 to vector<32x1024xf32>
    %mul3A_120 = arith.mulf %mul3A_119, %slice3A_117 : vector<32x1024xf32>
    %sub3A_121 = arith.subf %add3A_116, %mul3A_120 : vector<32x1024xf32>
    %min3A_122 = arith.minimumf %min3A_110, %sub3A_121 : vector<32x1024xf32>
    %get3A_123 = arith.constant 320 : index
    %get3A_124 = arith.constant 0 : index
    %get3A_125 = vector.load %arg5[%get3A_123, %get3A_124] : memref<2048x1xf32, #tpu.memory_space<vmem>>, vector<32x1xf32>
    %add3A_126 = vector.broadcast %get3A_8 : vector<1x1024xf32> to vector<32x1024xf32>
    %add3A_127 = vector.broadcast %get3A_125 : vector<32x1xf32> to vector<32x1024xf32>
    %add3A_128 = arith.addf %add3A_126, %add3A_127 : vector<32x1024xf32>
    %slice3A_129 = vector.extract_strided_slice %dot_general3A_5 {offsets = [320, 0], sizes = [32, 1024], strides = [1, 1]} : vector<2048x1024xf32> to vector<32x1024xf32>
    %mul3A_130 = arith.constant 2.000000e+00 : f32
    %mul3A_131 = vector.broadcast %mul3A_130 : f32 to vector<32x1024xf32>
    %mul3A_132 = arith.mulf %mul3A_131, %slice3A_129 : vector<32x1024xf32>
    %sub3A_133 = arith.subf %add3A_128, %mul3A_132 : vector<32x1024xf32>
    %min3A_134 = arith.minimumf %min3A_122, %sub3A_133 : vector<32x1024xf32>
    %get3A_135 = arith.constant 352 : index
    %get3A_136 = arith.constant 0 : index
    %get3A_137 = vector.load %arg5[%get3A_135, %get3A_136] : memref<2048x1xf32, #tpu.memory_space<vmem>>, vector<32x1xf32>
    %add3A_138 = vector.broadcast %get3A_8 : vector<1x1024xf32> to vector<32x1024xf32>
    %add3A_139 = vector.broadcast %get3A_137 : vector<32x1xf32> to vector<32x1024xf32>
    %add3A_140 = arith.addf %add3A_138, %add3A_139 : vector<32x1024xf32>
    %slice3A_141 = vector.extract_strided_slice %dot_general3A_5 {offsets = [352, 0], sizes = [32, 1024], strides = [1, 1]} : vector<2048x1024xf32> to vector<32x1024xf32>
    %mul3A_142 = arith.constant 2.000000e+00 : f32
    %mul3A_143 = vector.broadcast %mul3A_142 : f32 to vector<32x1024xf32>
    %mul3A_144 = arith.mulf %mul3A_143, %slice3A_141 : vector<32x1024xf32>
    %sub3A_145 = arith.subf %add3A_140, %mul3A_144 : vector<32x1024xf32>
    %min3A_146 = arith.minimumf %min3A_134, %sub3A_145 : vector<32x1024xf32>
    %get3A_147 = arith.constant 384 : index
    %get3A_148 = arith.constant 0 : index
    %get3A_149 = vector.load %arg5[%get3A_147, %get3A_148] : memref<2048x1xf32, #tpu.memory_space<vmem>>, vector<32x1xf32>
    %add3A_150 = vector.broadcast %get3A_8 : vector<1x1024xf32> to vector<32x1024xf32>
    %add3A_151 = vector.broadcast %get3A_149 : vector<32x1xf32> to vector<32x1024xf32>
    %add3A_152 = arith.addf %add3A_150, %add3A_151 : vector<32x1024xf32>
    %slice3A_153 = vector.extract_strided_slice %dot_general3A_5 {offsets = [384, 0], sizes = [32, 1024], strides = [1, 1]} : vector<2048x1024xf32> to vector<32x1024xf32>
    %mul3A_154 = arith.constant 2.000000e+00 : f32
    %mul3A_155 = vector.broadcast %mul3A_154 : f32 to vector<32x1024xf32>
    %mul3A_156 = arith.mulf %mul3A_155, %slice3A_153 : vector<32x1024xf32>
    %sub3A_157 = arith.subf %add3A_152, %mul3A_156 : vector<32x1024xf32>
    %min3A_158 = arith.minimumf %min3A_146, %sub3A_157 : vector<32x1024xf32>
    %get3A_159 = arith.constant 416 : index
    %get3A_160 = arith.constant 0 : index
    %get3A_161 = vector.load %arg5[%get3A_159, %get3A_160] : memref<2048x1xf32, #tpu.memory_space<vmem>>, vector<32x1xf32>
    %add3A_162 = vector.broadcast %get3A_8 : vector<1x1024xf32> to vector<32x1024xf32>
    %add3A_163 = vector.broadcast %get3A_161 : vector<32x1xf32> to vector<32x1024xf32>
    %add3A_164 = arith.addf %add3A_162, %add3A_163 : vector<32x1024xf32>
    %slice3A_165 = vector.extract_strided_slice %dot_general3A_5 {offsets = [416, 0], sizes = [32, 1024], strides = [1, 1]} : vector<2048x1024xf32> to vector<32x1024xf32>
    %mul3A_166 = arith.constant 2.000000e+00 : f32
    %mul3A_167 = vector.broadcast %mul3A_166 : f32 to vector<32x1024xf32>
    %mul3A_168 = arith.mulf %mul3A_167, %slice3A_165 : vector<32x1024xf32>
    %sub3A_169 = arith.subf %add3A_164, %mul3A_168 : vector<32x1024xf32>
    %min3A_170 = arith.minimumf %min3A_158, %sub3A_169 : vector<32x1024xf32>
    %get3A_171 = arith.constant 448 : index
    %get3A_172 = arith.constant 0 : index
    %get3A_173 = vector.load %arg5[%get3A_171, %get3A_172] : memref<2048x1xf32, #tpu.memory_space<vmem>>, vector<32x1xf32>
    %add3A_174 = vector.broadcast %get3A_8 : vector<1x1024xf32> to vector<32x1024xf32>
    %add3A_175 = vector.broadcast %get3A_173 : vector<32x1xf32> to vector<32x1024xf32>
    %add3A_176 = arith.addf %add3A_174, %add3A_175 : vector<32x1024xf32>
    %slice3A_177 = vector.extract_strided_slice %dot_general3A_5 {offsets = [448, 0], sizes = [32, 1024], strides = [1, 1]} : vector<2048x1024xf32> to vector<32x1024xf32>
    %mul3A_178 = arith.constant 2.000000e+00 : f32
    %mul3A_179 = vector.broadcast %mul3A_178 : f32 to vector<32x1024xf32>
    %mul3A_180 = arith.mulf %mul3A_179, %slice3A_177 : vector<32x1024xf32>
    %sub3A_181 = arith.subf %add3A_176, %mul3A_180 : vector<32x1024xf32>
    %min3A_182 = arith.minimumf %min3A_170, %sub3A_181 : vector<32x1024xf32>
    %get3A_183 = arith.constant 480 : index
    %get3A_184 = arith.constant 0 : index
    %get3A_185 = vector.load %arg5[%get3A_183, %get3A_184] : memref<2048x1xf32, #tpu.memory_space<vmem>>, vector<32x1xf32>
    %add3A_186 = vector.broadcast %get3A_8 : vector<1x1024xf32> to vector<32x1024xf32>
    %add3A_187 = vector.broadcast %get3A_185 : vector<32x1xf32> to vector<32x1024xf32>
    %add3A_188 = arith.addf %add3A_186, %add3A_187 : vector<32x1024xf32>
    %slice3A_189 = vector.extract_strided_slice %dot_general3A_5 {offsets = [480, 0], sizes = [32, 1024], strides = [1, 1]} : vector<2048x1024xf32> to vector<32x1024xf32>
    %mul3A_190 = arith.constant 2.000000e+00 : f32
    %mul3A_191 = vector.broadcast %mul3A_190 : f32 to vector<32x1024xf32>
    %mul3A_192 = arith.mulf %mul3A_191, %slice3A_189 : vector<32x1024xf32>
    %sub3A_193 = arith.subf %add3A_188, %mul3A_192 : vector<32x1024xf32>
    %min3A_194 = arith.minimumf %min3A_182, %sub3A_193 : vector<32x1024xf32>
    %get3A_195 = arith.constant 512 : index
    %get3A_196 = arith.constant 0 : index
    %get3A_197 = vector.load %arg5[%get3A_195, %get3A_196] : memref<2048x1xf32, #tpu.memory_space<vmem>>, vector<32x1xf32>
    %add3A_198 = vector.broadcast %get3A_8 : vector<1x1024xf32> to vector<32x1024xf32>
    %add3A_199 = vector.broadcast %get3A_197 : vector<32x1xf32> to vector<32x1024xf32>
    %add3A_200 = arith.addf %add3A_198, %add3A_199 : vector<32x1024xf32>
    %slice3A_201 = vector.extract_strided_slice %dot_general3A_5 {offsets = [512, 0], sizes = [32, 1024], strides = [1, 1]} : vector<2048x1024xf32> to vector<32x1024xf32>
    %mul3A_202 = arith.constant 2.000000e+00 : f32
    %mul3A_203 = vector.broadcast %mul3A_202 : f32 to vector<32x1024xf32>
    %mul3A_204 = arith.mulf %mul3A_203, %slice3A_201 : vector<32x1024xf32>
    %sub3A_205 = arith.subf %add3A_200, %mul3A_204 : vector<32x1024xf32>
    %min3A_206 = arith.minimumf %min3A_194, %sub3A_205 : vector<32x1024xf32>
    %get3A_207 = arith.constant 544 : index
    %get3A_208 = arith.constant 0 : index
    %get3A_209 = vector.load %arg5[%get3A_207, %get3A_208] : memref<2048x1xf32, #tpu.memory_space<vmem>>, vector<32x1xf32>
    %add3A_210 = vector.broadcast %get3A_8 : vector<1x1024xf32> to vector<32x1024xf32>
    %add3A_211 = vector.broadcast %get3A_209 : vector<32x1xf32> to vector<32x1024xf32>
    %add3A_212 = arith.addf %add3A_210, %add3A_211 : vector<32x1024xf32>
    %slice3A_213 = vector.extract_strided_slice %dot_general3A_5 {offsets = [544, 0], sizes = [32, 1024], strides = [1, 1]} : vector<2048x1024xf32> to vector<32x1024xf32>
    %mul3A_214 = arith.constant 2.000000e+00 : f32
    %mul3A_215 = vector.broadcast %mul3A_214 : f32 to vector<32x1024xf32>
    %mul3A_216 = arith.mulf %mul3A_215, %slice3A_213 : vector<32x1024xf32>
    %sub3A_217 = arith.subf %add3A_212, %mul3A_216 : vector<32x1024xf32>
    %min3A_218 = arith.minimumf %min3A_206, %sub3A_217 : vector<32x1024xf32>
    %get3A_219 = arith.constant 576 : index
    %get3A_220 = arith.constant 0 : index
    %get3A_221 = vector.load %arg5[%get3A_219, %get3A_220] : memref<2048x1xf32, #tpu.memory_space<vmem>>, vector<32x1xf32>
    %add3A_222 = vector.broadcast %get3A_8 : vector<1x1024xf32> to vector<32x1024xf32>
    %add3A_223 = vector.broadcast %get3A_221 : vector<32x1xf32> to vector<32x1024xf32>
    %add3A_224 = arith.addf %add3A_222, %add3A_223 : vector<32x1024xf32>
    %slice3A_225 = vector.extract_strided_slice %dot_general3A_5 {offsets = [576, 0], sizes = [32, 1024], strides = [1, 1]} : vector<2048x1024xf32> to vector<32x1024xf32>
    %mul3A_226 = arith.constant 2.000000e+00 : f32
    %mul3A_227 = vector.broadcast %mul3A_226 : f32 to vector<32x1024xf32>
    %mul3A_228 = arith.mulf %mul3A_227, %slice3A_225 : vector<32x1024xf32>
    %sub3A_229 = arith.subf %add3A_224, %mul3A_228 : vector<32x1024xf32>
    %min3A_230 = arith.minimumf %min3A_218, %sub3A_229 : vector<32x1024xf32>
    %get3A_231 = arith.constant 608 : index
    %get3A_232 = arith.constant 0 : index
    %get3A_233 = vector.load %arg5[%get3A_231, %get3A_232] : memref<2048x1xf32, #tpu.memory_space<vmem>>, vector<32x1xf32>
    %add3A_234 = vector.broadcast %get3A_8 : vector<1x1024xf32> to vector<32x1024xf32>
    %add3A_235 = vector.broadcast %get3A_233 : vector<32x1xf32> to vector<32x1024xf32>
    %add3A_236 = arith.addf %add3A_234, %add3A_235 : vector<32x1024xf32>
    %slice3A_237 = vector.extract_strided_slice %dot_general3A_5 {offsets = [608, 0], sizes = [32, 1024], strides = [1, 1]} : vector<2048x1024xf32> to vector<32x1024xf32>
    %mul3A_238 = arith.constant 2.000000e+00 : f32
    %mul3A_239 = vector.broadcast %mul3A_238 : f32 to vector<32x1024xf32>
    %mul3A_240 = arith.mulf %mul3A_239, %slice3A_237 : vector<32x1024xf32>
    %sub3A_241 = arith.subf %add3A_236, %mul3A_240 : vector<32x1024xf32>
    %min3A_242 = arith.minimumf %min3A_230, %sub3A_241 : vector<32x1024xf32>
    %get3A_243 = arith.constant 640 : index
    %get3A_244 = arith.constant 0 : index
    %get3A_245 = vector.load %arg5[%get3A_243, %get3A_244] : memref<2048x1xf32, #tpu.memory_space<vmem>>, vector<32x1xf32>
    %add3A_246 = vector.broadcast %get3A_8 : vector<1x1024xf32> to vector<32x1024xf32>
    %add3A_247 = vector.broadcast %get3A_245 : vector<32x1xf32> to vector<32x1024xf32>
    %add3A_248 = arith.addf %add3A_246, %add3A_247 : vector<32x1024xf32>
    %slice3A_249 = vector.extract_strided_slice %dot_general3A_5 {offsets = [640, 0], sizes = [32, 1024], strides = [1, 1]} : vector<2048x1024xf32> to vector<32x1024xf32>
    %mul3A_250 = arith.constant 2.000000e+00 : f32
    %mul3A_251 = vector.broadcast %mul3A_250 : f32 to vector<32x1024xf32>
    %mul3A_252 = arith.mulf %mul3A_251, %slice3A_249 : vector<32x1024xf32>
    %sub3A_253 = arith.subf %add3A_248, %mul3A_252 : vector<32x1024xf32>
    %min3A_254 = arith.minimumf %min3A_242, %sub3A_253 : vector<32x1024xf32>
    %get3A_255 = arith.constant 672 : index
    %get3A_256 = arith.constant 0 : index
    %get3A_257 = vector.load %arg5[%get3A_255, %get3A_256] : memref<2048x1xf32, #tpu.memory_space<vmem>>, vector<32x1xf32>
    %add3A_258 = vector.broadcast %get3A_8 : vector<1x1024xf32> to vector<32x1024xf32>
    %add3A_259 = vector.broadcast %get3A_257 : vector<32x1xf32> to vector<32x1024xf32>
    %add3A_260 = arith.addf %add3A_258, %add3A_259 : vector<32x1024xf32>
    %slice3A_261 = vector.extract_strided_slice %dot_general3A_5 {offsets = [672, 0], sizes = [32, 1024], strides = [1, 1]} : vector<2048x1024xf32> to vector<32x1024xf32>
    %mul3A_262 = arith.constant 2.000000e+00 : f32
    %mul3A_263 = vector.broadcast %mul3A_262 : f32 to vector<32x1024xf32>
    %mul3A_264 = arith.mulf %mul3A_263, %slice3A_261 : vector<32x1024xf32>
    %sub3A_265 = arith.subf %add3A_260, %mul3A_264 : vector<32x1024xf32>
    %min3A_266 = arith.minimumf %min3A_254, %sub3A_265 : vector<32x1024xf32>
    %get3A_267 = arith.constant 704 : index
    %get3A_268 = arith.constant 0 : index
    %get3A_269 = vector.load %arg5[%get3A_267, %get3A_268] : memref<2048x1xf32, #tpu.memory_space<vmem>>, vector<32x1xf32>
    %add3A_270 = vector.broadcast %get3A_8 : vector<1x1024xf32> to vector<32x1024xf32>
    %add3A_271 = vector.broadcast %get3A_269 : vector<32x1xf32> to vector<32x1024xf32>
    %add3A_272 = arith.addf %add3A_270, %add3A_271 : vector<32x1024xf32>
    %slice3A_273 = vector.extract_strided_slice %dot_general3A_5 {offsets = [704, 0], sizes = [32, 1024], strides = [1, 1]} : vector<2048x1024xf32> to vector<32x1024xf32>
    %mul3A_274 = arith.constant 2.000000e+00 : f32
    %mul3A_275 = vector.broadcast %mul3A_274 : f32 to vector<32x1024xf32>
    %mul3A_276 = arith.mulf %mul3A_275, %slice3A_273 : vector<32x1024xf32>
    %sub3A_277 = arith.subf %add3A_272, %mul3A_276 : vector<32x1024xf32>
    %min3A_278 = arith.minimumf %min3A_266, %sub3A_277 : vector<32x1024xf32>
    %get3A_279 = arith.constant 736 : index
    %get3A_280 = arith.constant 0 : index
    %get3A_281 = vector.load %arg5[%get3A_279, %get3A_280] : memref<2048x1xf32, #tpu.memory_space<vmem>>, vector<32x1xf32>
    %add3A_282 = vector.broadcast %get3A_8 : vector<1x1024xf32> to vector<32x1024xf32>
    %add3A_283 = vector.broadcast %get3A_281 : vector<32x1xf32> to vector<32x1024xf32>
    %add3A_284 = arith.addf %add3A_282, %add3A_283 : vector<32x1024xf32>
    %slice3A_285 = vector.extract_strided_slice %dot_general3A_5 {offsets = [736, 0], sizes = [32, 1024], strides = [1, 1]} : vector<2048x1024xf32> to vector<32x1024xf32>
    %mul3A_286 = arith.constant 2.000000e+00 : f32
    %mul3A_287 = vector.broadcast %mul3A_286 : f32 to vector<32x1024xf32>
    %mul3A_288 = arith.mulf %mul3A_287, %slice3A_285 : vector<32x1024xf32>
    %sub3A_289 = arith.subf %add3A_284, %mul3A_288 : vector<32x1024xf32>
    %min3A_290 = arith.minimumf %min3A_278, %sub3A_289 : vector<32x1024xf32>
    %get3A_291 = arith.constant 768 : index
    %get3A_292 = arith.constant 0 : index
    %get3A_293 = vector.load %arg5[%get3A_291, %get3A_292] : memref<2048x1xf32, #tpu.memory_space<vmem>>, vector<32x1xf32>
    %add3A_294 = vector.broadcast %get3A_8 : vector<1x1024xf32> to vector<32x1024xf32>
    %add3A_295 = vector.broadcast %get3A_293 : vector<32x1xf32> to vector<32x1024xf32>
    %add3A_296 = arith.addf %add3A_294, %add3A_295 : vector<32x1024xf32>
    %slice3A_297 = vector.extract_strided_slice %dot_general3A_5 {offsets = [768, 0], sizes = [32, 1024], strides = [1, 1]} : vector<2048x1024xf32> to vector<32x1024xf32>
    %mul3A_298 = arith.constant 2.000000e+00 : f32
    %mul3A_299 = vector.broadcast %mul3A_298 : f32 to vector<32x1024xf32>
    %mul3A_300 = arith.mulf %mul3A_299, %slice3A_297 : vector<32x1024xf32>
    %sub3A_301 = arith.subf %add3A_296, %mul3A_300 : vector<32x1024xf32>
    %min3A_302 = arith.minimumf %min3A_290, %sub3A_301 : vector<32x1024xf32>
    %get3A_303 = arith.constant 800 : index
    %get3A_304 = arith.constant 0 : index
    %get3A_305 = vector.load %arg5[%get3A_303, %get3A_304] : memref<2048x1xf32, #tpu.memory_space<vmem>>, vector<32x1xf32>
    %add3A_306 = vector.broadcast %get3A_8 : vector<1x1024xf32> to vector<32x1024xf32>
    %add3A_307 = vector.broadcast %get3A_305 : vector<32x1xf32> to vector<32x1024xf32>
    %add3A_308 = arith.addf %add3A_306, %add3A_307 : vector<32x1024xf32>
    %slice3A_309 = vector.extract_strided_slice %dot_general3A_5 {offsets = [800, 0], sizes = [32, 1024], strides = [1, 1]} : vector<2048x1024xf32> to vector<32x1024xf32>
    %mul3A_310 = arith.constant 2.000000e+00 : f32
    %mul3A_311 = vector.broadcast %mul3A_310 : f32 to vector<32x1024xf32>
    %mul3A_312 = arith.mulf %mul3A_311, %slice3A_309 : vector<32x1024xf32>
    %sub3A_313 = arith.subf %add3A_308, %mul3A_312 : vector<32x1024xf32>
    %min3A_314 = arith.minimumf %min3A_302, %sub3A_313 : vector<32x1024xf32>
    %get3A_315 = arith.constant 832 : index
    %get3A_316 = arith.constant 0 : index
    %get3A_317 = vector.load %arg5[%get3A_315, %get3A_316] : memref<2048x1xf32, #tpu.memory_space<vmem>>, vector<32x1xf32>
    %add3A_318 = vector.broadcast %get3A_8 : vector<1x1024xf32> to vector<32x1024xf32>
    %add3A_319 = vector.broadcast %get3A_317 : vector<32x1xf32> to vector<32x1024xf32>
    %add3A_320 = arith.addf %add3A_318, %add3A_319 : vector<32x1024xf32>
    %slice3A_321 = vector.extract_strided_slice %dot_general3A_5 {offsets = [832, 0], sizes = [32, 1024], strides = [1, 1]} : vector<2048x1024xf32> to vector<32x1024xf32>
    %mul3A_322 = arith.constant 2.000000e+00 : f32
    %mul3A_323 = vector.broadcast %mul3A_322 : f32 to vector<32x1024xf32>
    %mul3A_324 = arith.mulf %mul3A_323, %slice3A_321 : vector<32x1024xf32>
    %sub3A_325 = arith.subf %add3A_320, %mul3A_324 : vector<32x1024xf32>
    %min3A_326 = arith.minimumf %min3A_314, %sub3A_325 : vector<32x1024xf32>
    %get3A_327 = arith.constant 864 : index
    %get3A_328 = arith.constant 0 : index
    %get3A_329 = vector.load %arg5[%get3A_327, %get3A_328] : memref<2048x1xf32, #tpu.memory_space<vmem>>, vector<32x1xf32>
    %add3A_330 = vector.broadcast %get3A_8 : vector<1x1024xf32> to vector<32x1024xf32>
    %add3A_331 = vector.broadcast %get3A_329 : vector<32x1xf32> to vector<32x1024xf32>
    %add3A_332 = arith.addf %add3A_330, %add3A_331 : vector<32x1024xf32>
    %slice3A_333 = vector.extract_strided_slice %dot_general3A_5 {offsets = [864, 0], sizes = [32, 1024], strides = [1, 1]} : vector<2048x1024xf32> to vector<32x1024xf32>
    %mul3A_334 = arith.constant 2.000000e+00 : f32
    %mul3A_335 = vector.broadcast %mul3A_334 : f32 to vector<32x1024xf32>
    %mul3A_336 = arith.mulf %mul3A_335, %slice3A_333 : vector<32x1024xf32>
    %sub3A_337 = arith.subf %add3A_332, %mul3A_336 : vector<32x1024xf32>
    %min3A_338 = arith.minimumf %min3A_326, %sub3A_337 : vector<32x1024xf32>
    %get3A_339 = arith.constant 896 : index
    %get3A_340 = arith.constant 0 : index
    %get3A_341 = vector.load %arg5[%get3A_339, %get3A_340] : memref<2048x1xf32, #tpu.memory_space<vmem>>, vector<32x1xf32>
    %add3A_342 = vector.broadcast %get3A_8 : vector<1x1024xf32> to vector<32x1024xf32>
    %add3A_343 = vector.broadcast %get3A_341 : vector<32x1xf32> to vector<32x1024xf32>
    %add3A_344 = arith.addf %add3A_342, %add3A_343 : vector<32x1024xf32>
    %slice3A_345 = vector.extract_strided_slice %dot_general3A_5 {offsets = [896, 0], sizes = [32, 1024], strides = [1, 1]} : vector<2048x1024xf32> to vector<32x1024xf32>
    %mul3A_346 = arith.constant 2.000000e+00 : f32
    %mul3A_347 = vector.broadcast %mul3A_346 : f32 to vector<32x1024xf32>
    %mul3A_348 = arith.mulf %mul3A_347, %slice3A_345 : vector<32x1024xf32>
    %sub3A_349 = arith.subf %add3A_344, %mul3A_348 : vector<32x1024xf32>
    %min3A_350 = arith.minimumf %min3A_338, %sub3A_349 : vector<32x1024xf32>
    %get3A_351 = arith.constant 928 : index
    %get3A_352 = arith.constant 0 : index
    %get3A_353 = vector.load %arg5[%get3A_351, %get3A_352] : memref<2048x1xf32, #tpu.memory_space<vmem>>, vector<32x1xf32>
    %add3A_354 = vector.broadcast %get3A_8 : vector<1x1024xf32> to vector<32x1024xf32>
    %add3A_355 = vector.broadcast %get3A_353 : vector<32x1xf32> to vector<32x1024xf32>
    %add3A_356 = arith.addf %add3A_354, %add3A_355 : vector<32x1024xf32>
    %slice3A_357 = vector.extract_strided_slice %dot_general3A_5 {offsets = [928, 0], sizes = [32, 1024], strides = [1, 1]} : vector<2048x1024xf32> to vector<32x1024xf32>
    %mul3A_358 = arith.constant 2.000000e+00 : f32
    %mul3A_359 = vector.broadcast %mul3A_358 : f32 to vector<32x1024xf32>
    %mul3A_360 = arith.mulf %mul3A_359, %slice3A_357 : vector<32x1024xf32>
    %sub3A_361 = arith.subf %add3A_356, %mul3A_360 : vector<32x1024xf32>
    %min3A_362 = arith.minimumf %min3A_350, %sub3A_361 : vector<32x1024xf32>
    %get3A_363 = arith.constant 960 : index
    %get3A_364 = arith.constant 0 : index
    %get3A_365 = vector.load %arg5[%get3A_363, %get3A_364] : memref<2048x1xf32, #tpu.memory_space<vmem>>, vector<32x1xf32>
    %add3A_366 = vector.broadcast %get3A_8 : vector<1x1024xf32> to vector<32x1024xf32>
    %add3A_367 = vector.broadcast %get3A_365 : vector<32x1xf32> to vector<32x1024xf32>
    %add3A_368 = arith.addf %add3A_366, %add3A_367 : vector<32x1024xf32>
    %slice3A_369 = vector.extract_strided_slice %dot_general3A_5 {offsets = [960, 0], sizes = [32, 1024], strides = [1, 1]} : vector<2048x1024xf32> to vector<32x1024xf32>
    %mul3A_370 = arith.constant 2.000000e+00 : f32
    %mul3A_371 = vector.broadcast %mul3A_370 : f32 to vector<32x1024xf32>
    %mul3A_372 = arith.mulf %mul3A_371, %slice3A_369 : vector<32x1024xf32>
    %sub3A_373 = arith.subf %add3A_368, %mul3A_372 : vector<32x1024xf32>
    %min3A_374 = arith.minimumf %min3A_362, %sub3A_373 : vector<32x1024xf32>
    %get3A_375 = arith.constant 992 : index
    %get3A_376 = arith.constant 0 : index
    %get3A_377 = vector.load %arg5[%get3A_375, %get3A_376] : memref<2048x1xf32, #tpu.memory_space<vmem>>, vector<32x1xf32>
    %add3A_378 = vector.broadcast %get3A_8 : vector<1x1024xf32> to vector<32x1024xf32>
    %add3A_379 = vector.broadcast %get3A_377 : vector<32x1xf32> to vector<32x1024xf32>
    %add3A_380 = arith.addf %add3A_378, %add3A_379 : vector<32x1024xf32>
    %slice3A_381 = vector.extract_strided_slice %dot_general3A_5 {offsets = [992, 0], sizes = [32, 1024], strides = [1, 1]} : vector<2048x1024xf32> to vector<32x1024xf32>
    %mul3A_382 = arith.constant 2.000000e+00 : f32
    %mul3A_383 = vector.broadcast %mul3A_382 : f32 to vector<32x1024xf32>
    %mul3A_384 = arith.mulf %mul3A_383, %slice3A_381 : vector<32x1024xf32>
    %sub3A_385 = arith.subf %add3A_380, %mul3A_384 : vector<32x1024xf32>
    %min3A_386 = arith.minimumf %min3A_374, %sub3A_385 : vector<32x1024xf32>
    %get3A_387 = arith.constant 1024 : index
    %get3A_388 = arith.constant 0 : index
    %get3A_389 = vector.load %arg5[%get3A_387, %get3A_388] : memref<2048x1xf32, #tpu.memory_space<vmem>>, vector<32x1xf32>
    %add3A_390 = vector.broadcast %get3A_8 : vector<1x1024xf32> to vector<32x1024xf32>
    %add3A_391 = vector.broadcast %get3A_389 : vector<32x1xf32> to vector<32x1024xf32>
    %add3A_392 = arith.addf %add3A_390, %add3A_391 : vector<32x1024xf32>
    %slice3A_393 = vector.extract_strided_slice %dot_general3A_5 {offsets = [1024, 0], sizes = [32, 1024], strides = [1, 1]} : vector<2048x1024xf32> to vector<32x1024xf32>
    %mul3A_394 = arith.constant 2.000000e+00 : f32
    %mul3A_395 = vector.broadcast %mul3A_394 : f32 to vector<32x1024xf32>
    %mul3A_396 = arith.mulf %mul3A_395, %slice3A_393 : vector<32x1024xf32>
    %sub3A_397 = arith.subf %add3A_392, %mul3A_396 : vector<32x1024xf32>
    %min3A_398 = arith.minimumf %min3A_386, %sub3A_397 : vector<32x1024xf32>
    %get3A_399 = arith.constant 1056 : index
    %get3A_400 = arith.constant 0 : index
    %get3A_401 = vector.load %arg5[%get3A_399, %get3A_400] : memref<2048x1xf32, #tpu.memory_space<vmem>>, vector<32x1xf32>
    %add3A_402 = vector.broadcast %get3A_8 : vector<1x1024xf32> to vector<32x1024xf32>
    %add3A_403 = vector.broadcast %get3A_401 : vector<32x1xf32> to vector<32x1024xf32>
    %add3A_404 = arith.addf %add3A_402, %add3A_403 : vector<32x1024xf32>
    %slice3A_405 = vector.extract_strided_slice %dot_general3A_5 {offsets = [1056, 0], sizes = [32, 1024], strides = [1, 1]} : vector<2048x1024xf32> to vector<32x1024xf32>
    %mul3A_406 = arith.constant 2.000000e+00 : f32
    %mul3A_407 = vector.broadcast %mul3A_406 : f32 to vector<32x1024xf32>
    %mul3A_408 = arith.mulf %mul3A_407, %slice3A_405 : vector<32x1024xf32>
    %sub3A_409 = arith.subf %add3A_404, %mul3A_408 : vector<32x1024xf32>
    %min3A_410 = arith.minimumf %min3A_398, %sub3A_409 : vector<32x1024xf32>
    %get3A_411 = arith.constant 1088 : index
    %get3A_412 = arith.constant 0 : index
    %get3A_413 = vector.load %arg5[%get3A_411, %get3A_412] : memref<2048x1xf32, #tpu.memory_space<vmem>>, vector<32x1xf32>
    %add3A_414 = vector.broadcast %get3A_8 : vector<1x1024xf32> to vector<32x1024xf32>
    %add3A_415 = vector.broadcast %get3A_413 : vector<32x1xf32> to vector<32x1024xf32>
    %add3A_416 = arith.addf %add3A_414, %add3A_415 : vector<32x1024xf32>
    %slice3A_417 = vector.extract_strided_slice %dot_general3A_5 {offsets = [1088, 0], sizes = [32, 1024], strides = [1, 1]} : vector<2048x1024xf32> to vector<32x1024xf32>
    %mul3A_418 = arith.constant 2.000000e+00 : f32
    %mul3A_419 = vector.broadcast %mul3A_418 : f32 to vector<32x1024xf32>
    %mul3A_420 = arith.mulf %mul3A_419, %slice3A_417 : vector<32x1024xf32>
    %sub3A_421 = arith.subf %add3A_416, %mul3A_420 : vector<32x1024xf32>
    %min3A_422 = arith.minimumf %min3A_410, %sub3A_421 : vector<32x1024xf32>
    %get3A_423 = arith.constant 1120 : index
    %get3A_424 = arith.constant 0 : index
    %get3A_425 = vector.load %arg5[%get3A_423, %get3A_424] : memref<2048x1xf32, #tpu.memory_space<vmem>>, vector<32x1xf32>
    %add3A_426 = vector.broadcast %get3A_8 : vector<1x1024xf32> to vector<32x1024xf32>
    %add3A_427 = vector.broadcast %get3A_425 : vector<32x1xf32> to vector<32x1024xf32>
    %add3A_428 = arith.addf %add3A_426, %add3A_427 : vector<32x1024xf32>
    %slice3A_429 = vector.extract_strided_slice %dot_general3A_5 {offsets = [1120, 0], sizes = [32, 1024], strides = [1, 1]} : vector<2048x1024xf32> to vector<32x1024xf32>
    %mul3A_430 = arith.constant 2.000000e+00 : f32
    %mul3A_431 = vector.broadcast %mul3A_430 : f32 to vector<32x1024xf32>
    %mul3A_432 = arith.mulf %mul3A_431, %slice3A_429 : vector<32x1024xf32>
    %sub3A_433 = arith.subf %add3A_428, %mul3A_432 : vector<32x1024xf32>
    %min3A_434 = arith.minimumf %min3A_422, %sub3A_433 : vector<32x1024xf32>
    %get3A_435 = arith.constant 1152 : index
    %get3A_436 = arith.constant 0 : index
    %get3A_437 = vector.load %arg5[%get3A_435, %get3A_436] : memref<2048x1xf32, #tpu.memory_space<vmem>>, vector<32x1xf32>
    %add3A_438 = vector.broadcast %get3A_8 : vector<1x1024xf32> to vector<32x1024xf32>
    %add3A_439 = vector.broadcast %get3A_437 : vector<32x1xf32> to vector<32x1024xf32>
    %add3A_440 = arith.addf %add3A_438, %add3A_439 : vector<32x1024xf32>
    %slice3A_441 = vector.extract_strided_slice %dot_general3A_5 {offsets = [1152, 0], sizes = [32, 1024], strides = [1, 1]} : vector<2048x1024xf32> to vector<32x1024xf32>
    %mul3A_442 = arith.constant 2.000000e+00 : f32
    %mul3A_443 = vector.broadcast %mul3A_442 : f32 to vector<32x1024xf32>
    %mul3A_444 = arith.mulf %mul3A_443, %slice3A_441 : vector<32x1024xf32>
    %sub3A_445 = arith.subf %add3A_440, %mul3A_444 : vector<32x1024xf32>
    %min3A_446 = arith.minimumf %min3A_434, %sub3A_445 : vector<32x1024xf32>
    %get3A_447 = arith.constant 1184 : index
    %get3A_448 = arith.constant 0 : index
    %get3A_449 = vector.load %arg5[%get3A_447, %get3A_448] : memref<2048x1xf32, #tpu.memory_space<vmem>>, vector<32x1xf32>
    %add3A_450 = vector.broadcast %get3A_8 : vector<1x1024xf32> to vector<32x1024xf32>
    %add3A_451 = vector.broadcast %get3A_449 : vector<32x1xf32> to vector<32x1024xf32>
    %add3A_452 = arith.addf %add3A_450, %add3A_451 : vector<32x1024xf32>
    %slice3A_453 = vector.extract_strided_slice %dot_general3A_5 {offsets = [1184, 0], sizes = [32, 1024], strides = [1, 1]} : vector<2048x1024xf32> to vector<32x1024xf32>
    %mul3A_454 = arith.constant 2.000000e+00 : f32
    %mul3A_455 = vector.broadcast %mul3A_454 : f32 to vector<32x1024xf32>
    %mul3A_456 = arith.mulf %mul3A_455, %slice3A_453 : vector<32x1024xf32>
    %sub3A_457 = arith.subf %add3A_452, %mul3A_456 : vector<32x1024xf32>
    %min3A_458 = arith.minimumf %min3A_446, %sub3A_457 : vector<32x1024xf32>
    %get3A_459 = arith.constant 1216 : index
    %get3A_460 = arith.constant 0 : index
    %get3A_461 = vector.load %arg5[%get3A_459, %get3A_460] : memref<2048x1xf32, #tpu.memory_space<vmem>>, vector<32x1xf32>
    %add3A_462 = vector.broadcast %get3A_8 : vector<1x1024xf32> to vector<32x1024xf32>
    %add3A_463 = vector.broadcast %get3A_461 : vector<32x1xf32> to vector<32x1024xf32>
    %add3A_464 = arith.addf %add3A_462, %add3A_463 : vector<32x1024xf32>
    %slice3A_465 = vector.extract_strided_slice %dot_general3A_5 {offsets = [1216, 0], sizes = [32, 1024], strides = [1, 1]} : vector<2048x1024xf32> to vector<32x1024xf32>
    %mul3A_466 = arith.constant 2.000000e+00 : f32
    %mul3A_467 = vector.broadcast %mul3A_466 : f32 to vector<32x1024xf32>
    %mul3A_468 = arith.mulf %mul3A_467, %slice3A_465 : vector<32x1024xf32>
    %sub3A_469 = arith.subf %add3A_464, %mul3A_468 : vector<32x1024xf32>
    %min3A_470 = arith.minimumf %min3A_458, %sub3A_469 : vector<32x1024xf32>
    %get3A_471 = arith.constant 1248 : index
    %get3A_472 = arith.constant 0 : index
    %get3A_473 = vector.load %arg5[%get3A_471, %get3A_472] : memref<2048x1xf32, #tpu.memory_space<vmem>>, vector<32x1xf32>
    %add3A_474 = vector.broadcast %get3A_8 : vector<1x1024xf32> to vector<32x1024xf32>
    %add3A_475 = vector.broadcast %get3A_473 : vector<32x1xf32> to vector<32x1024xf32>
    %add3A_476 = arith.addf %add3A_474, %add3A_475 : vector<32x1024xf32>
    %slice3A_477 = vector.extract_strided_slice %dot_general3A_5 {offsets = [1248, 0], sizes = [32, 1024], strides = [1, 1]} : vector<2048x1024xf32> to vector<32x1024xf32>
    %mul3A_478 = arith.constant 2.000000e+00 : f32
    %mul3A_479 = vector.broadcast %mul3A_478 : f32 to vector<32x1024xf32>
    %mul3A_480 = arith.mulf %mul3A_479, %slice3A_477 : vector<32x1024xf32>
    %sub3A_481 = arith.subf %add3A_476, %mul3A_480 : vector<32x1024xf32>
    %min3A_482 = arith.minimumf %min3A_470, %sub3A_481 : vector<32x1024xf32>
    %get3A_483 = arith.constant 1280 : index
    %get3A_484 = arith.constant 0 : index
    %get3A_485 = vector.load %arg5[%get3A_483, %get3A_484] : memref<2048x1xf32, #tpu.memory_space<vmem>>, vector<32x1xf32>
    %add3A_486 = vector.broadcast %get3A_8 : vector<1x1024xf32> to vector<32x1024xf32>
    %add3A_487 = vector.broadcast %get3A_485 : vector<32x1xf32> to vector<32x1024xf32>
    %add3A_488 = arith.addf %add3A_486, %add3A_487 : vector<32x1024xf32>
    %slice3A_489 = vector.extract_strided_slice %dot_general3A_5 {offsets = [1280, 0], sizes = [32, 1024], strides = [1, 1]} : vector<2048x1024xf32> to vector<32x1024xf32>
    %mul3A_490 = arith.constant 2.000000e+00 : f32
    %mul3A_491 = vector.broadcast %mul3A_490 : f32 to vector<32x1024xf32>
    %mul3A_492 = arith.mulf %mul3A_491, %slice3A_489 : vector<32x1024xf32>
    %sub3A_493 = arith.subf %add3A_488, %mul3A_492 : vector<32x1024xf32>
    %min3A_494 = arith.minimumf %min3A_482, %sub3A_493 : vector<32x1024xf32>
    %get3A_495 = arith.constant 1312 : index
    %get3A_496 = arith.constant 0 : index
    %get3A_497 = vector.load %arg5[%get3A_495, %get3A_496] : memref<2048x1xf32, #tpu.memory_space<vmem>>, vector<32x1xf32>
    %add3A_498 = vector.broadcast %get3A_8 : vector<1x1024xf32> to vector<32x1024xf32>
    %add3A_499 = vector.broadcast %get3A_497 : vector<32x1xf32> to vector<32x1024xf32>
    %add3A_500 = arith.addf %add3A_498, %add3A_499 : vector<32x1024xf32>
    %slice3A_501 = vector.extract_strided_slice %dot_general3A_5 {offsets = [1312, 0], sizes = [32, 1024], strides = [1, 1]} : vector<2048x1024xf32> to vector<32x1024xf32>
    %mul3A_502 = arith.constant 2.000000e+00 : f32
    %mul3A_503 = vector.broadcast %mul3A_502 : f32 to vector<32x1024xf32>
    %mul3A_504 = arith.mulf %mul3A_503, %slice3A_501 : vector<32x1024xf32>
    %sub3A_505 = arith.subf %add3A_500, %mul3A_504 : vector<32x1024xf32>
    %min3A_506 = arith.minimumf %min3A_494, %sub3A_505 : vector<32x1024xf32>
    %get3A_507 = arith.constant 1344 : index
    %get3A_508 = arith.constant 0 : index
    %get3A_509 = vector.load %arg5[%get3A_507, %get3A_508] : memref<2048x1xf32, #tpu.memory_space<vmem>>, vector<32x1xf32>
    %add3A_510 = vector.broadcast %get3A_8 : vector<1x1024xf32> to vector<32x1024xf32>
    %add3A_511 = vector.broadcast %get3A_509 : vector<32x1xf32> to vector<32x1024xf32>
    %add3A_512 = arith.addf %add3A_510, %add3A_511 : vector<32x1024xf32>
    %slice3A_513 = vector.extract_strided_slice %dot_general3A_5 {offsets = [1344, 0], sizes = [32, 1024], strides = [1, 1]} : vector<2048x1024xf32> to vector<32x1024xf32>
    %mul3A_514 = arith.constant 2.000000e+00 : f32
    %mul3A_515 = vector.broadcast %mul3A_514 : f32 to vector<32x1024xf32>
    %mul3A_516 = arith.mulf %mul3A_515, %slice3A_513 : vector<32x1024xf32>
    %sub3A_517 = arith.subf %add3A_512, %mul3A_516 : vector<32x1024xf32>
    %min3A_518 = arith.minimumf %min3A_506, %sub3A_517 : vector<32x1024xf32>
    %get3A_519 = arith.constant 1376 : index
    %get3A_520 = arith.constant 0 : index
    %get3A_521 = vector.load %arg5[%get3A_519, %get3A_520] : memref<2048x1xf32, #tpu.memory_space<vmem>>, vector<32x1xf32>
    %add3A_522 = vector.broadcast %get3A_8 : vector<1x1024xf32> to vector<32x1024xf32>
    %add3A_523 = vector.broadcast %get3A_521 : vector<32x1xf32> to vector<32x1024xf32>
    %add3A_524 = arith.addf %add3A_522, %add3A_523 : vector<32x1024xf32>
    %slice3A_525 = vector.extract_strided_slice %dot_general3A_5 {offsets = [1376, 0], sizes = [32, 1024], strides = [1, 1]} : vector<2048x1024xf32> to vector<32x1024xf32>
    %mul3A_526 = arith.constant 2.000000e+00 : f32
    %mul3A_527 = vector.broadcast %mul3A_526 : f32 to vector<32x1024xf32>
    %mul3A_528 = arith.mulf %mul3A_527, %slice3A_525 : vector<32x1024xf32>
    %sub3A_529 = arith.subf %add3A_524, %mul3A_528 : vector<32x1024xf32>
    %min3A_530 = arith.minimumf %min3A_518, %sub3A_529 : vector<32x1024xf32>
    %get3A_531 = arith.constant 1408 : index
    %get3A_532 = arith.constant 0 : index
    %get3A_533 = vector.load %arg5[%get3A_531, %get3A_532] : memref<2048x1xf32, #tpu.memory_space<vmem>>, vector<32x1xf32>
    %add3A_534 = vector.broadcast %get3A_8 : vector<1x1024xf32> to vector<32x1024xf32>
    %add3A_535 = vector.broadcast %get3A_533 : vector<32x1xf32> to vector<32x1024xf32>
    %add3A_536 = arith.addf %add3A_534, %add3A_535 : vector<32x1024xf32>
    %slice3A_537 = vector.extract_strided_slice %dot_general3A_5 {offsets = [1408, 0], sizes = [32, 1024], strides = [1, 1]} : vector<2048x1024xf32> to vector<32x1024xf32>
    %mul3A_538 = arith.constant 2.000000e+00 : f32
    %mul3A_539 = vector.broadcast %mul3A_538 : f32 to vector<32x1024xf32>
    %mul3A_540 = arith.mulf %mul3A_539, %slice3A_537 : vector<32x1024xf32>
    %sub3A_541 = arith.subf %add3A_536, %mul3A_540 : vector<32x1024xf32>
    %min3A_542 = arith.minimumf %min3A_530, %sub3A_541 : vector<32x1024xf32>
    %get3A_543 = arith.constant 1440 : index
    %get3A_544 = arith.constant 0 : index
    %get3A_545 = vector.load %arg5[%get3A_543, %get3A_544] : memref<2048x1xf32, #tpu.memory_space<vmem>>, vector<32x1xf32>
    %add3A_546 = vector.broadcast %get3A_8 : vector<1x1024xf32> to vector<32x1024xf32>
    %add3A_547 = vector.broadcast %get3A_545 : vector<32x1xf32> to vector<32x1024xf32>
    %add3A_548 = arith.addf %add3A_546, %add3A_547 : vector<32x1024xf32>
    %slice3A_549 = vector.extract_strided_slice %dot_general3A_5 {offsets = [1440, 0], sizes = [32, 1024], strides = [1, 1]} : vector<2048x1024xf32> to vector<32x1024xf32>
    %mul3A_550 = arith.constant 2.000000e+00 : f32
    %mul3A_551 = vector.broadcast %mul3A_550 : f32 to vector<32x1024xf32>
    %mul3A_552 = arith.mulf %mul3A_551, %slice3A_549 : vector<32x1024xf32>
    %sub3A_553 = arith.subf %add3A_548, %mul3A_552 : vector<32x1024xf32>
    %min3A_554 = arith.minimumf %min3A_542, %sub3A_553 : vector<32x1024xf32>
    %get3A_555 = arith.constant 1472 : index
    %get3A_556 = arith.constant 0 : index
    %get3A_557 = vector.load %arg5[%get3A_555, %get3A_556] : memref<2048x1xf32, #tpu.memory_space<vmem>>, vector<32x1xf32>
    %add3A_558 = vector.broadcast %get3A_8 : vector<1x1024xf32> to vector<32x1024xf32>
    %add3A_559 = vector.broadcast %get3A_557 : vector<32x1xf32> to vector<32x1024xf32>
    %add3A_560 = arith.addf %add3A_558, %add3A_559 : vector<32x1024xf32>
    %slice3A_561 = vector.extract_strided_slice %dot_general3A_5 {offsets = [1472, 0], sizes = [32, 1024], strides = [1, 1]} : vector<2048x1024xf32> to vector<32x1024xf32>
    %mul3A_562 = arith.constant 2.000000e+00 : f32
    %mul3A_563 = vector.broadcast %mul3A_562 : f32 to vector<32x1024xf32>
    %mul3A_564 = arith.mulf %mul3A_563, %slice3A_561 : vector<32x1024xf32>
    %sub3A_565 = arith.subf %add3A_560, %mul3A_564 : vector<32x1024xf32>
    %min3A_566 = arith.minimumf %min3A_554, %sub3A_565 : vector<32x1024xf32>
    %get3A_567 = arith.constant 1504 : index
    %get3A_568 = arith.constant 0 : index
    %get3A_569 = vector.load %arg5[%get3A_567, %get3A_568] : memref<2048x1xf32, #tpu.memory_space<vmem>>, vector<32x1xf32>
    %add3A_570 = vector.broadcast %get3A_8 : vector<1x1024xf32> to vector<32x1024xf32>
    %add3A_571 = vector.broadcast %get3A_569 : vector<32x1xf32> to vector<32x1024xf32>
    %add3A_572 = arith.addf %add3A_570, %add3A_571 : vector<32x1024xf32>
    %slice3A_573 = vector.extract_strided_slice %dot_general3A_5 {offsets = [1504, 0], sizes = [32, 1024], strides = [1, 1]} : vector<2048x1024xf32> to vector<32x1024xf32>
    %mul3A_574 = arith.constant 2.000000e+00 : f32
    %mul3A_575 = vector.broadcast %mul3A_574 : f32 to vector<32x1024xf32>
    %mul3A_576 = arith.mulf %mul3A_575, %slice3A_573 : vector<32x1024xf32>
    %sub3A_577 = arith.subf %add3A_572, %mul3A_576 : vector<32x1024xf32>
    %min3A_578 = arith.minimumf %min3A_566, %sub3A_577 : vector<32x1024xf32>
    %get3A_579 = arith.constant 1536 : index
    %get3A_580 = arith.constant 0 : index
    %get3A_581 = vector.load %arg5[%get3A_579, %get3A_580] : memref<2048x1xf32, #tpu.memory_space<vmem>>, vector<32x1xf32>
    %add3A_582 = vector.broadcast %get3A_8 : vector<1x1024xf32> to vector<32x1024xf32>
    %add3A_583 = vector.broadcast %get3A_581 : vector<32x1xf32> to vector<32x1024xf32>
    %add3A_584 = arith.addf %add3A_582, %add3A_583 : vector<32x1024xf32>
    %slice3A_585 = vector.extract_strided_slice %dot_general3A_5 {offsets = [1536, 0], sizes = [32, 1024], strides = [1, 1]} : vector<2048x1024xf32> to vector<32x1024xf32>
    %mul3A_586 = arith.constant 2.000000e+00 : f32
    %mul3A_587 = vector.broadcast %mul3A_586 : f32 to vector<32x1024xf32>
    %mul3A_588 = arith.mulf %mul3A_587, %slice3A_585 : vector<32x1024xf32>
    %sub3A_589 = arith.subf %add3A_584, %mul3A_588 : vector<32x1024xf32>
    %min3A_590 = arith.minimumf %min3A_578, %sub3A_589 : vector<32x1024xf32>
    %get3A_591 = arith.constant 1568 : index
    %get3A_592 = arith.constant 0 : index
    %get3A_593 = vector.load %arg5[%get3A_591, %get3A_592] : memref<2048x1xf32, #tpu.memory_space<vmem>>, vector<32x1xf32>
    %add3A_594 = vector.broadcast %get3A_8 : vector<1x1024xf32> to vector<32x1024xf32>
    %add3A_595 = vector.broadcast %get3A_593 : vector<32x1xf32> to vector<32x1024xf32>
    %add3A_596 = arith.addf %add3A_594, %add3A_595 : vector<32x1024xf32>
    %slice3A_597 = vector.extract_strided_slice %dot_general3A_5 {offsets = [1568, 0], sizes = [32, 1024], strides = [1, 1]} : vector<2048x1024xf32> to vector<32x1024xf32>
    %mul3A_598 = arith.constant 2.000000e+00 : f32
    %mul3A_599 = vector.broadcast %mul3A_598 : f32 to vector<32x1024xf32>
    %mul3A_600 = arith.mulf %mul3A_599, %slice3A_597 : vector<32x1024xf32>
    %sub3A_601 = arith.subf %add3A_596, %mul3A_600 : vector<32x1024xf32>
    %min3A_602 = arith.minimumf %min3A_590, %sub3A_601 : vector<32x1024xf32>
    %get3A_603 = arith.constant 1600 : index
    %get3A_604 = arith.constant 0 : index
    %get3A_605 = vector.load %arg5[%get3A_603, %get3A_604] : memref<2048x1xf32, #tpu.memory_space<vmem>>, vector<32x1xf32>
    %add3A_606 = vector.broadcast %get3A_8 : vector<1x1024xf32> to vector<32x1024xf32>
    %add3A_607 = vector.broadcast %get3A_605 : vector<32x1xf32> to vector<32x1024xf32>
    %add3A_608 = arith.addf %add3A_606, %add3A_607 : vector<32x1024xf32>
    %slice3A_609 = vector.extract_strided_slice %dot_general3A_5 {offsets = [1600, 0], sizes = [32, 1024], strides = [1, 1]} : vector<2048x1024xf32> to vector<32x1024xf32>
    %mul3A_610 = arith.constant 2.000000e+00 : f32
    %mul3A_611 = vector.broadcast %mul3A_610 : f32 to vector<32x1024xf32>
    %mul3A_612 = arith.mulf %mul3A_611, %slice3A_609 : vector<32x1024xf32>
    %sub3A_613 = arith.subf %add3A_608, %mul3A_612 : vector<32x1024xf32>
    %min3A_614 = arith.minimumf %min3A_602, %sub3A_613 : vector<32x1024xf32>
    %get3A_615 = arith.constant 1632 : index
    %get3A_616 = arith.constant 0 : index
    %get3A_617 = vector.load %arg5[%get3A_615, %get3A_616] : memref<2048x1xf32, #tpu.memory_space<vmem>>, vector<32x1xf32>
    %add3A_618 = vector.broadcast %get3A_8 : vector<1x1024xf32> to vector<32x1024xf32>
    %add3A_619 = vector.broadcast %get3A_617 : vector<32x1xf32> to vector<32x1024xf32>
    %add3A_620 = arith.addf %add3A_618, %add3A_619 : vector<32x1024xf32>
    %slice3A_621 = vector.extract_strided_slice %dot_general3A_5 {offsets = [1632, 0], sizes = [32, 1024], strides = [1, 1]} : vector<2048x1024xf32> to vector<32x1024xf32>
    %mul3A_622 = arith.constant 2.000000e+00 : f32
    %mul3A_623 = vector.broadcast %mul3A_622 : f32 to vector<32x1024xf32>
    %mul3A_624 = arith.mulf %mul3A_623, %slice3A_621 : vector<32x1024xf32>
    %sub3A_625 = arith.subf %add3A_620, %mul3A_624 : vector<32x1024xf32>
    %min3A_626 = arith.minimumf %min3A_614, %sub3A_625 : vector<32x1024xf32>
    %get3A_627 = arith.constant 1664 : index
    %get3A_628 = arith.constant 0 : index
    %get3A_629 = vector.load %arg5[%get3A_627, %get3A_628] : memref<2048x1xf32, #tpu.memory_space<vmem>>, vector<32x1xf32>
    %add3A_630 = vector.broadcast %get3A_8 : vector<1x1024xf32> to vector<32x1024xf32>
    %add3A_631 = vector.broadcast %get3A_629 : vector<32x1xf32> to vector<32x1024xf32>
    %add3A_632 = arith.addf %add3A_630, %add3A_631 : vector<32x1024xf32>
    %slice3A_633 = vector.extract_strided_slice %dot_general3A_5 {offsets = [1664, 0], sizes = [32, 1024], strides = [1, 1]} : vector<2048x1024xf32> to vector<32x1024xf32>
    %mul3A_634 = arith.constant 2.000000e+00 : f32
    %mul3A_635 = vector.broadcast %mul3A_634 : f32 to vector<32x1024xf32>
    %mul3A_636 = arith.mulf %mul3A_635, %slice3A_633 : vector<32x1024xf32>
    %sub3A_637 = arith.subf %add3A_632, %mul3A_636 : vector<32x1024xf32>
    %min3A_638 = arith.minimumf %min3A_626, %sub3A_637 : vector<32x1024xf32>
    %get3A_639 = arith.constant 1696 : index
    %get3A_640 = arith.constant 0 : index
    %get3A_641 = vector.load %arg5[%get3A_639, %get3A_640] : memref<2048x1xf32, #tpu.memory_space<vmem>>, vector<32x1xf32>
    %add3A_642 = vector.broadcast %get3A_8 : vector<1x1024xf32> to vector<32x1024xf32>
    %add3A_643 = vector.broadcast %get3A_641 : vector<32x1xf32> to vector<32x1024xf32>
    %add3A_644 = arith.addf %add3A_642, %add3A_643 : vector<32x1024xf32>
    %slice3A_645 = vector.extract_strided_slice %dot_general3A_5 {offsets = [1696, 0], sizes = [32, 1024], strides = [1, 1]} : vector<2048x1024xf32> to vector<32x1024xf32>
    %mul3A_646 = arith.constant 2.000000e+00 : f32
    %mul3A_647 = vector.broadcast %mul3A_646 : f32 to vector<32x1024xf32>
    %mul3A_648 = arith.mulf %mul3A_647, %slice3A_645 : vector<32x1024xf32>
    %sub3A_649 = arith.subf %add3A_644, %mul3A_648 : vector<32x1024xf32>
    %min3A_650 = arith.minimumf %min3A_638, %sub3A_649 : vector<32x1024xf32>
    %get3A_651 = arith.constant 1728 : index
    %get3A_652 = arith.constant 0 : index
    %get3A_653 = vector.load %arg5[%get3A_651, %get3A_652] : memref<2048x1xf32, #tpu.memory_space<vmem>>, vector<32x1xf32>
    %add3A_654 = vector.broadcast %get3A_8 : vector<1x1024xf32> to vector<32x1024xf32>
    %add3A_655 = vector.broadcast %get3A_653 : vector<32x1xf32> to vector<32x1024xf32>
    %add3A_656 = arith.addf %add3A_654, %add3A_655 : vector<32x1024xf32>
    %slice3A_657 = vector.extract_strided_slice %dot_general3A_5 {offsets = [1728, 0], sizes = [32, 1024], strides = [1, 1]} : vector<2048x1024xf32> to vector<32x1024xf32>
    %mul3A_658 = arith.constant 2.000000e+00 : f32
    %mul3A_659 = vector.broadcast %mul3A_658 : f32 to vector<32x1024xf32>
    %mul3A_660 = arith.mulf %mul3A_659, %slice3A_657 : vector<32x1024xf32>
    %sub3A_661 = arith.subf %add3A_656, %mul3A_660 : vector<32x1024xf32>
    %min3A_662 = arith.minimumf %min3A_650, %sub3A_661 : vector<32x1024xf32>
    %get3A_663 = arith.constant 1760 : index
    %get3A_664 = arith.constant 0 : index
    %get3A_665 = vector.load %arg5[%get3A_663, %get3A_664] : memref<2048x1xf32, #tpu.memory_space<vmem>>, vector<32x1xf32>
    %add3A_666 = vector.broadcast %get3A_8 : vector<1x1024xf32> to vector<32x1024xf32>
    %add3A_667 = vector.broadcast %get3A_665 : vector<32x1xf32> to vector<32x1024xf32>
    %add3A_668 = arith.addf %add3A_666, %add3A_667 : vector<32x1024xf32>
    %slice3A_669 = vector.extract_strided_slice %dot_general3A_5 {offsets = [1760, 0], sizes = [32, 1024], strides = [1, 1]} : vector<2048x1024xf32> to vector<32x1024xf32>
    %mul3A_670 = arith.constant 2.000000e+00 : f32
    %mul3A_671 = vector.broadcast %mul3A_670 : f32 to vector<32x1024xf32>
    %mul3A_672 = arith.mulf %mul3A_671, %slice3A_669 : vector<32x1024xf32>
    %sub3A_673 = arith.subf %add3A_668, %mul3A_672 : vector<32x1024xf32>
    %min3A_674 = arith.minimumf %min3A_662, %sub3A_673 : vector<32x1024xf32>
    %get3A_675 = arith.constant 1792 : index
    %get3A_676 = arith.constant 0 : index
    %get3A_677 = vector.load %arg5[%get3A_675, %get3A_676] : memref<2048x1xf32, #tpu.memory_space<vmem>>, vector<32x1xf32>
    %add3A_678 = vector.broadcast %get3A_8 : vector<1x1024xf32> to vector<32x1024xf32>
    %add3A_679 = vector.broadcast %get3A_677 : vector<32x1xf32> to vector<32x1024xf32>
    %add3A_680 = arith.addf %add3A_678, %add3A_679 : vector<32x1024xf32>
    %slice3A_681 = vector.extract_strided_slice %dot_general3A_5 {offsets = [1792, 0], sizes = [32, 1024], strides = [1, 1]} : vector<2048x1024xf32> to vector<32x1024xf32>
    %mul3A_682 = arith.constant 2.000000e+00 : f32
    %mul3A_683 = vector.broadcast %mul3A_682 : f32 to vector<32x1024xf32>
    %mul3A_684 = arith.mulf %mul3A_683, %slice3A_681 : vector<32x1024xf32>
    %sub3A_685 = arith.subf %add3A_680, %mul3A_684 : vector<32x1024xf32>
    %min3A_686 = arith.minimumf %min3A_674, %sub3A_685 : vector<32x1024xf32>
    %get3A_687 = arith.constant 1824 : index
    %get3A_688 = arith.constant 0 : index
    %get3A_689 = vector.load %arg5[%get3A_687, %get3A_688] : memref<2048x1xf32, #tpu.memory_space<vmem>>, vector<32x1xf32>
    %add3A_690 = vector.broadcast %get3A_8 : vector<1x1024xf32> to vector<32x1024xf32>
    %add3A_691 = vector.broadcast %get3A_689 : vector<32x1xf32> to vector<32x1024xf32>
    %add3A_692 = arith.addf %add3A_690, %add3A_691 : vector<32x1024xf32>
    %slice3A_693 = vector.extract_strided_slice %dot_general3A_5 {offsets = [1824, 0], sizes = [32, 1024], strides = [1, 1]} : vector<2048x1024xf32> to vector<32x1024xf32>
    %mul3A_694 = arith.constant 2.000000e+00 : f32
    %mul3A_695 = vector.broadcast %mul3A_694 : f32 to vector<32x1024xf32>
    %mul3A_696 = arith.mulf %mul3A_695, %slice3A_693 : vector<32x1024xf32>
    %sub3A_697 = arith.subf %add3A_692, %mul3A_696 : vector<32x1024xf32>
    %min3A_698 = arith.minimumf %min3A_686, %sub3A_697 : vector<32x1024xf32>
    %get3A_699 = arith.constant 1856 : index
    %get3A_700 = arith.constant 0 : index
    %get3A_701 = vector.load %arg5[%get3A_699, %get3A_700] : memref<2048x1xf32, #tpu.memory_space<vmem>>, vector<32x1xf32>
    %add3A_702 = vector.broadcast %get3A_8 : vector<1x1024xf32> to vector<32x1024xf32>
    %add3A_703 = vector.broadcast %get3A_701 : vector<32x1xf32> to vector<32x1024xf32>
    %add3A_704 = arith.addf %add3A_702, %add3A_703 : vector<32x1024xf32>
    %slice3A_705 = vector.extract_strided_slice %dot_general3A_5 {offsets = [1856, 0], sizes = [32, 1024], strides = [1, 1]} : vector<2048x1024xf32> to vector<32x1024xf32>
    %mul3A_706 = arith.constant 2.000000e+00 : f32
    %mul3A_707 = vector.broadcast %mul3A_706 : f32 to vector<32x1024xf32>
    %mul3A_708 = arith.mulf %mul3A_707, %slice3A_705 : vector<32x1024xf32>
    %sub3A_709 = arith.subf %add3A_704, %mul3A_708 : vector<32x1024xf32>
    %min3A_710 = arith.minimumf %min3A_698, %sub3A_709 : vector<32x1024xf32>
    %get3A_711 = arith.constant 1888 : index
    %get3A_712 = arith.constant 0 : index
    %get3A_713 = vector.load %arg5[%get3A_711, %get3A_712] : memref<2048x1xf32, #tpu.memory_space<vmem>>, vector<32x1xf32>
    %add3A_714 = vector.broadcast %get3A_8 : vector<1x1024xf32> to vector<32x1024xf32>
    %add3A_715 = vector.broadcast %get3A_713 : vector<32x1xf32> to vector<32x1024xf32>
    %add3A_716 = arith.addf %add3A_714, %add3A_715 : vector<32x1024xf32>
    %slice3A_717 = vector.extract_strided_slice %dot_general3A_5 {offsets = [1888, 0], sizes = [32, 1024], strides = [1, 1]} : vector<2048x1024xf32> to vector<32x1024xf32>
    %mul3A_718 = arith.constant 2.000000e+00 : f32
    %mul3A_719 = vector.broadcast %mul3A_718 : f32 to vector<32x1024xf32>
    %mul3A_720 = arith.mulf %mul3A_719, %slice3A_717 : vector<32x1024xf32>
    %sub3A_721 = arith.subf %add3A_716, %mul3A_720 : vector<32x1024xf32>
    %min3A_722 = arith.minimumf %min3A_710, %sub3A_721 : vector<32x1024xf32>
    %get3A_723 = arith.constant 1920 : index
    %get3A_724 = arith.constant 0 : index
    %get3A_725 = vector.load %arg5[%get3A_723, %get3A_724] : memref<2048x1xf32, #tpu.memory_space<vmem>>, vector<32x1xf32>
    %add3A_726 = vector.broadcast %get3A_8 : vector<1x1024xf32> to vector<32x1024xf32>
    %add3A_727 = vector.broadcast %get3A_725 : vector<32x1xf32> to vector<32x1024xf32>
    %add3A_728 = arith.addf %add3A_726, %add3A_727 : vector<32x1024xf32>
    %slice3A_729 = vector.extract_strided_slice %dot_general3A_5 {offsets = [1920, 0], sizes = [32, 1024], strides = [1, 1]} : vector<2048x1024xf32> to vector<32x1024xf32>
    %mul3A_730 = arith.constant 2.000000e+00 : f32
    %mul3A_731 = vector.broadcast %mul3A_730 : f32 to vector<32x1024xf32>
    %mul3A_732 = arith.mulf %mul3A_731, %slice3A_729 : vector<32x1024xf32>
    %sub3A_733 = arith.subf %add3A_728, %mul3A_732 : vector<32x1024xf32>
    %min3A_734 = arith.minimumf %min3A_722, %sub3A_733 : vector<32x1024xf32>
    %get3A_735 = arith.constant 1952 : index
    %get3A_736 = arith.constant 0 : index
    %get3A_737 = vector.load %arg5[%get3A_735, %get3A_736] : memref<2048x1xf32, #tpu.memory_space<vmem>>, vector<32x1xf32>
    %add3A_738 = vector.broadcast %get3A_8 : vector<1x1024xf32> to vector<32x1024xf32>
    %add3A_739 = vector.broadcast %get3A_737 : vector<32x1xf32> to vector<32x1024xf32>
    %add3A_740 = arith.addf %add3A_738, %add3A_739 : vector<32x1024xf32>
    %slice3A_741 = vector.extract_strided_slice %dot_general3A_5 {offsets = [1952, 0], sizes = [32, 1024], strides = [1, 1]} : vector<2048x1024xf32> to vector<32x1024xf32>
    %mul3A_742 = arith.constant 2.000000e+00 : f32
    %mul3A_743 = vector.broadcast %mul3A_742 : f32 to vector<32x1024xf32>
    %mul3A_744 = arith.mulf %mul3A_743, %slice3A_741 : vector<32x1024xf32>
    %sub3A_745 = arith.subf %add3A_740, %mul3A_744 : vector<32x1024xf32>
    %min3A_746 = arith.minimumf %min3A_734, %sub3A_745 : vector<32x1024xf32>
    %get3A_747 = arith.constant 1984 : index
    %get3A_748 = arith.constant 0 : index
    %get3A_749 = vector.load %arg5[%get3A_747, %get3A_748] : memref<2048x1xf32, #tpu.memory_space<vmem>>, vector<32x1xf32>
    %add3A_750 = vector.broadcast %get3A_8 : vector<1x1024xf32> to vector<32x1024xf32>
    %add3A_751 = vector.broadcast %get3A_749 : vector<32x1xf32> to vector<32x1024xf32>
    %add3A_752 = arith.addf %add3A_750, %add3A_751 : vector<32x1024xf32>
    %slice3A_753 = vector.extract_strided_slice %dot_general3A_5 {offsets = [1984, 0], sizes = [32, 1024], strides = [1, 1]} : vector<2048x1024xf32> to vector<32x1024xf32>
    %mul3A_754 = arith.constant 2.000000e+00 : f32
    %mul3A_755 = vector.broadcast %mul3A_754 : f32 to vector<32x1024xf32>
    %mul3A_756 = arith.mulf %mul3A_755, %slice3A_753 : vector<32x1024xf32>
    %sub3A_757 = arith.subf %add3A_752, %mul3A_756 : vector<32x1024xf32>
    %min3A_758 = arith.minimumf %min3A_746, %sub3A_757 : vector<32x1024xf32>
    %get3A_759 = arith.constant 2016 : index
    %get3A_760 = arith.constant 0 : index
    %get3A_761 = vector.load %arg5[%get3A_759, %get3A_760] : memref<2048x1xf32, #tpu.memory_space<vmem>>, vector<32x1xf32>
    %add3A_762 = vector.broadcast %get3A_8 : vector<1x1024xf32> to vector<32x1024xf32>
    %add3A_763 = vector.broadcast %get3A_761 : vector<32x1xf32> to vector<32x1024xf32>
    %add3A_764 = arith.addf %add3A_762, %add3A_763 : vector<32x1024xf32>
    %slice3A_765 = vector.extract_strided_slice %dot_general3A_5 {offsets = [2016, 0], sizes = [32, 1024], strides = [1, 1]} : vector<2048x1024xf32> to vector<32x1024xf32>
    %mul3A_766 = arith.constant 2.000000e+00 : f32
    %mul3A_767 = vector.broadcast %mul3A_766 : f32 to vector<32x1024xf32>
    %mul3A_768 = arith.mulf %mul3A_767, %slice3A_765 : vector<32x1024xf32>
    %sub3A_769 = arith.subf %add3A_764, %mul3A_768 : vector<32x1024xf32>
    %min3A_770 = arith.minimumf %min3A_758, %sub3A_769 : vector<32x1024xf32>
    %slice3A_771 = vector.extract_strided_slice %min3A_770 {offsets = [0, 0], sizes = [4, 1024], strides = [1, 1]} : vector<32x1024xf32> to vector<4x1024xf32>
    %slice3A_772 = vector.extract_strided_slice %min3A_770 {offsets = [4, 0], sizes = [4, 1024], strides = [1, 1]} : vector<32x1024xf32> to vector<4x1024xf32>
    %slice3A_773 = vector.extract_strided_slice %min3A_770 {offsets = [8, 0], sizes = [4, 1024], strides = [1, 1]} : vector<32x1024xf32> to vector<4x1024xf32>
    %slice3A_774 = vector.extract_strided_slice %min3A_770 {offsets = [12, 0], sizes = [4, 1024], strides = [1, 1]} : vector<32x1024xf32> to vector<4x1024xf32>
    %slice3A_775 = vector.extract_strided_slice %min3A_770 {offsets = [16, 0], sizes = [4, 1024], strides = [1, 1]} : vector<32x1024xf32> to vector<4x1024xf32>
    %slice3A_776 = vector.extract_strided_slice %min3A_770 {offsets = [20, 0], sizes = [4, 1024], strides = [1, 1]} : vector<32x1024xf32> to vector<4x1024xf32>
    %slice3A_777 = vector.extract_strided_slice %min3A_770 {offsets = [24, 0], sizes = [4, 1024], strides = [1, 1]} : vector<32x1024xf32> to vector<4x1024xf32>
    %slice3A_778 = vector.extract_strided_slice %min3A_770 {offsets = [28, 0], sizes = [4, 1024], strides = [1, 1]} : vector<32x1024xf32> to vector<4x1024xf32>
    %min3A_779 = arith.minimumf %slice3A_771, %slice3A_772 : vector<4x1024xf32>
    %min3A_780 = arith.minimumf %min3A_779, %slice3A_773 : vector<4x1024xf32>
    %min3A_781 = arith.minimumf %min3A_780, %slice3A_774 : vector<4x1024xf32>
    %min3A_782 = arith.minimumf %min3A_781, %slice3A_775 : vector<4x1024xf32>
    %min3A_783 = arith.minimumf %min3A_782, %slice3A_776 : vector<4x1024xf32>
    %min3A_784 = arith.minimumf %min3A_783, %slice3A_777 : vector<4x1024xf32>
    %min3A_785 = arith.minimumf %min3A_784, %slice3A_778 : vector<4x1024xf32>
    %reduce_min3A = arith.constant dense<0x7F800000> : vector<1024xf32>
    %reduce_min3A_786 = vector.multi_reduction <minimumf>, %min3A_785, %reduce_min3A [0] : vector<4x1024xf32> to vector<1024xf32>
    %broadcast_in_dim3A = vector.shape_cast %reduce_min3A_786 : vector<1024xf32> to vector<1x1024xf32>
    %eq3A = vector.broadcast %broadcast_in_dim3A : vector<1x1024xf32> to vector<32x1024xf32>
    %eq3A_787 = arith.cmpf oeq, %sub3A, %eq3A : vector<32x1024xf32>
    %get3A_788 = arith.constant 0 : index
    %get3A_789 = arith.constant 0 : index
    %get3A_790 = vector.load %arg6[%get3A_788, %get3A_789] : memref<2048x1024xf32, #tpu.memory_space<vmem>>, vector<32x1024xf32>
    %jit3A = arith.constant 2.048000e+03 : f32
    %broadcast_in_dim3A_791 = vector.broadcast %jit3A : f32 to vector<32x1024xf32>
    %select_n3A = arith.select %eq3A_787, %get3A_790, %broadcast_in_dim3A_791 : vector<32x1024xi1>, vector<32x1024xf32>
    %eq3A_792 = vector.broadcast %broadcast_in_dim3A : vector<1x1024xf32> to vector<32x1024xf32>
    %eq3A_793 = arith.cmpf oeq, %sub3A_26, %eq3A_792 : vector<32x1024xf32>
    %get3A_794 = arith.constant 32 : index
    %get3A_795 = arith.constant 0 : index
    %get3A_796 = vector.load %arg6[%get3A_794, %get3A_795] : memref<2048x1024xf32, #tpu.memory_space<vmem>>, vector<32x1024xf32>
    %jit3A_797 = arith.constant 2.048000e+03 : f32
    %broadcast_in_dim3A_798 = vector.broadcast %jit3A_797 : f32 to vector<32x1024xf32>
    %select_n3A_799 = arith.select %eq3A_793, %get3A_796, %broadcast_in_dim3A_798 : vector<32x1024xi1>, vector<32x1024xf32>
    %min3A_800 = arith.minimumf %select_n3A, %select_n3A_799 : vector<32x1024xf32>
    %eq3A_801 = vector.broadcast %broadcast_in_dim3A : vector<1x1024xf32> to vector<32x1024xf32>
    %eq3A_802 = arith.cmpf oeq, %sub3A_37, %eq3A_801 : vector<32x1024xf32>
    %get3A_803 = arith.constant 64 : index
    %get3A_804 = arith.constant 0 : index
    %get3A_805 = vector.load %arg6[%get3A_803, %get3A_804] : memref<2048x1024xf32, #tpu.memory_space<vmem>>, vector<32x1024xf32>
    %jit3A_806 = arith.constant 2.048000e+03 : f32
    %broadcast_in_dim3A_807 = vector.broadcast %jit3A_806 : f32 to vector<32x1024xf32>
    %select_n3A_808 = arith.select %eq3A_802, %get3A_805, %broadcast_in_dim3A_807 : vector<32x1024xi1>, vector<32x1024xf32>
    %min3A_809 = arith.minimumf %min3A_800, %select_n3A_808 : vector<32x1024xf32>
    %eq3A_810 = vector.broadcast %broadcast_in_dim3A : vector<1x1024xf32> to vector<32x1024xf32>
    %eq3A_811 = arith.cmpf oeq, %sub3A_49, %eq3A_810 : vector<32x1024xf32>
    %get3A_812 = arith.constant 96 : index
    %get3A_813 = arith.constant 0 : index
    %get3A_814 = vector.load %arg6[%get3A_812, %get3A_813] : memref<2048x1024xf32, #tpu.memory_space<vmem>>, vector<32x1024xf32>
    %jit3A_815 = arith.constant 2.048000e+03 : f32
    %broadcast_in_dim3A_816 = vector.broadcast %jit3A_815 : f32 to vector<32x1024xf32>
    %select_n3A_817 = arith.select %eq3A_811, %get3A_814, %broadcast_in_dim3A_816 : vector<32x1024xi1>, vector<32x1024xf32>
    %min3A_818 = arith.minimumf %min3A_809, %select_n3A_817 : vector<32x1024xf32>
    %eq3A_819 = vector.broadcast %broadcast_in_dim3A : vector<1x1024xf32> to vector<32x1024xf32>
    %eq3A_820 = arith.cmpf oeq, %sub3A_61, %eq3A_819 : vector<32x1024xf32>
    %get3A_821 = arith.constant 128 : index
    %get3A_822 = arith.constant 0 : index
    %get3A_823 = vector.load %arg6[%get3A_821, %get3A_822] : memref<2048x1024xf32, #tpu.memory_space<vmem>>, vector<32x1024xf32>
    %jit3A_824 = arith.constant 2.048000e+03 : f32
    %broadcast_in_dim3A_825 = vector.broadcast %jit3A_824 : f32 to vector<32x1024xf32>
    %select_n3A_826 = arith.select %eq3A_820, %get3A_823, %broadcast_in_dim3A_825 : vector<32x1024xi1>, vector<32x1024xf32>
    %min3A_827 = arith.minimumf %min3A_818, %select_n3A_826 : vector<32x1024xf32>
    %eq3A_828 = vector.broadcast %broadcast_in_dim3A : vector<1x1024xf32> to vector<32x1024xf32>
    %eq3A_829 = arith.cmpf oeq, %sub3A_73, %eq3A_828 : vector<32x1024xf32>
    %get3A_830 = arith.constant 160 : index
    %get3A_831 = arith.constant 0 : index
    %get3A_832 = vector.load %arg6[%get3A_830, %get3A_831] : memref<2048x1024xf32, #tpu.memory_space<vmem>>, vector<32x1024xf32>
    %jit3A_833 = arith.constant 2.048000e+03 : f32
    %broadcast_in_dim3A_834 = vector.broadcast %jit3A_833 : f32 to vector<32x1024xf32>
    %select_n3A_835 = arith.select %eq3A_829, %get3A_832, %broadcast_in_dim3A_834 : vector<32x1024xi1>, vector<32x1024xf32>
    %min3A_836 = arith.minimumf %min3A_827, %select_n3A_835 : vector<32x1024xf32>
    %eq3A_837 = vector.broadcast %broadcast_in_dim3A : vector<1x1024xf32> to vector<32x1024xf32>
    %eq3A_838 = arith.cmpf oeq, %sub3A_85, %eq3A_837 : vector<32x1024xf32>
    %get3A_839 = arith.constant 192 : index
    %get3A_840 = arith.constant 0 : index
    %get3A_841 = vector.load %arg6[%get3A_839, %get3A_840] : memref<2048x1024xf32, #tpu.memory_space<vmem>>, vector<32x1024xf32>
    %jit3A_842 = arith.constant 2.048000e+03 : f32
    %broadcast_in_dim3A_843 = vector.broadcast %jit3A_842 : f32 to vector<32x1024xf32>
    %select_n3A_844 = arith.select %eq3A_838, %get3A_841, %broadcast_in_dim3A_843 : vector<32x1024xi1>, vector<32x1024xf32>
    %min3A_845 = arith.minimumf %min3A_836, %select_n3A_844 : vector<32x1024xf32>
    %eq3A_846 = vector.broadcast %broadcast_in_dim3A : vector<1x1024xf32> to vector<32x1024xf32>
    %eq3A_847 = arith.cmpf oeq, %sub3A_97, %eq3A_846 : vector<32x1024xf32>
    %get3A_848 = arith.constant 224 : index
    %get3A_849 = arith.constant 0 : index
    %get3A_850 = vector.load %arg6[%get3A_848, %get3A_849] : memref<2048x1024xf32, #tpu.memory_space<vmem>>, vector<32x1024xf32>
    %jit3A_851 = arith.constant 2.048000e+03 : f32
    %broadcast_in_dim3A_852 = vector.broadcast %jit3A_851 : f32 to vector<32x1024xf32>
    %select_n3A_853 = arith.select %eq3A_847, %get3A_850, %broadcast_in_dim3A_852 : vector<32x1024xi1>, vector<32x1024xf32>
    %min3A_854 = arith.minimumf %min3A_845, %select_n3A_853 : vector<32x1024xf32>
    %eq3A_855 = vector.broadcast %broadcast_in_dim3A : vector<1x1024xf32> to vector<32x1024xf32>
    %eq3A_856 = arith.cmpf oeq, %sub3A_109, %eq3A_855 : vector<32x1024xf32>
    %get3A_857 = arith.constant 256 : index
    %get3A_858 = arith.constant 0 : index
    %get3A_859 = vector.load %arg6[%get3A_857, %get3A_858] : memref<2048x1024xf32, #tpu.memory_space<vmem>>, vector<32x1024xf32>
    %jit3A_860 = arith.constant 2.048000e+03 : f32
    %broadcast_in_dim3A_861 = vector.broadcast %jit3A_860 : f32 to vector<32x1024xf32>
    %select_n3A_862 = arith.select %eq3A_856, %get3A_859, %broadcast_in_dim3A_861 : vector<32x1024xi1>, vector<32x1024xf32>
    %min3A_863 = arith.minimumf %min3A_854, %select_n3A_862 : vector<32x1024xf32>
    %eq3A_864 = vector.broadcast %broadcast_in_dim3A : vector<1x1024xf32> to vector<32x1024xf32>
    %eq3A_865 = arith.cmpf oeq, %sub3A_121, %eq3A_864 : vector<32x1024xf32>
    %get3A_866 = arith.constant 288 : index
    %get3A_867 = arith.constant 0 : index
    %get3A_868 = vector.load %arg6[%get3A_866, %get3A_867] : memref<2048x1024xf32, #tpu.memory_space<vmem>>, vector<32x1024xf32>
    %jit3A_869 = arith.constant 2.048000e+03 : f32
    %broadcast_in_dim3A_870 = vector.broadcast %jit3A_869 : f32 to vector<32x1024xf32>
    %select_n3A_871 = arith.select %eq3A_865, %get3A_868, %broadcast_in_dim3A_870 : vector<32x1024xi1>, vector<32x1024xf32>
    %min3A_872 = arith.minimumf %min3A_863, %select_n3A_871 : vector<32x1024xf32>
    %eq3A_873 = vector.broadcast %broadcast_in_dim3A : vector<1x1024xf32> to vector<32x1024xf32>
    %eq3A_874 = arith.cmpf oeq, %sub3A_133, %eq3A_873 : vector<32x1024xf32>
    %get3A_875 = arith.constant 320 : index
    %get3A_876 = arith.constant 0 : index
    %get3A_877 = vector.load %arg6[%get3A_875, %get3A_876] : memref<2048x1024xf32, #tpu.memory_space<vmem>>, vector<32x1024xf32>
    %jit3A_878 = arith.constant 2.048000e+03 : f32
    %broadcast_in_dim3A_879 = vector.broadcast %jit3A_878 : f32 to vector<32x1024xf32>
    %select_n3A_880 = arith.select %eq3A_874, %get3A_877, %broadcast_in_dim3A_879 : vector<32x1024xi1>, vector<32x1024xf32>
    %min3A_881 = arith.minimumf %min3A_872, %select_n3A_880 : vector<32x1024xf32>
    %eq3A_882 = vector.broadcast %broadcast_in_dim3A : vector<1x1024xf32> to vector<32x1024xf32>
    %eq3A_883 = arith.cmpf oeq, %sub3A_145, %eq3A_882 : vector<32x1024xf32>
    %get3A_884 = arith.constant 352 : index
    %get3A_885 = arith.constant 0 : index
    %get3A_886 = vector.load %arg6[%get3A_884, %get3A_885] : memref<2048x1024xf32, #tpu.memory_space<vmem>>, vector<32x1024xf32>
    %jit3A_887 = arith.constant 2.048000e+03 : f32
    %broadcast_in_dim3A_888 = vector.broadcast %jit3A_887 : f32 to vector<32x1024xf32>
    %select_n3A_889 = arith.select %eq3A_883, %get3A_886, %broadcast_in_dim3A_888 : vector<32x1024xi1>, vector<32x1024xf32>
    %min3A_890 = arith.minimumf %min3A_881, %select_n3A_889 : vector<32x1024xf32>
    %eq3A_891 = vector.broadcast %broadcast_in_dim3A : vector<1x1024xf32> to vector<32x1024xf32>
    %eq3A_892 = arith.cmpf oeq, %sub3A_157, %eq3A_891 : vector<32x1024xf32>
    %get3A_893 = arith.constant 384 : index
    %get3A_894 = arith.constant 0 : index
    %get3A_895 = vector.load %arg6[%get3A_893, %get3A_894] : memref<2048x1024xf32, #tpu.memory_space<vmem>>, vector<32x1024xf32>
    %jit3A_896 = arith.constant 2.048000e+03 : f32
    %broadcast_in_dim3A_897 = vector.broadcast %jit3A_896 : f32 to vector<32x1024xf32>
    %select_n3A_898 = arith.select %eq3A_892, %get3A_895, %broadcast_in_dim3A_897 : vector<32x1024xi1>, vector<32x1024xf32>
    %min3A_899 = arith.minimumf %min3A_890, %select_n3A_898 : vector<32x1024xf32>
    %eq3A_900 = vector.broadcast %broadcast_in_dim3A : vector<1x1024xf32> to vector<32x1024xf32>
    %eq3A_901 = arith.cmpf oeq, %sub3A_169, %eq3A_900 : vector<32x1024xf32>
    %get3A_902 = arith.constant 416 : index
    %get3A_903 = arith.constant 0 : index
    %get3A_904 = vector.load %arg6[%get3A_902, %get3A_903] : memref<2048x1024xf32, #tpu.memory_space<vmem>>, vector<32x1024xf32>
    %jit3A_905 = arith.constant 2.048000e+03 : f32
    %broadcast_in_dim3A_906 = vector.broadcast %jit3A_905 : f32 to vector<32x1024xf32>
    %select_n3A_907 = arith.select %eq3A_901, %get3A_904, %broadcast_in_dim3A_906 : vector<32x1024xi1>, vector<32x1024xf32>
    %min3A_908 = arith.minimumf %min3A_899, %select_n3A_907 : vector<32x1024xf32>
    %eq3A_909 = vector.broadcast %broadcast_in_dim3A : vector<1x1024xf32> to vector<32x1024xf32>
    %eq3A_910 = arith.cmpf oeq, %sub3A_181, %eq3A_909 : vector<32x1024xf32>
    %get3A_911 = arith.constant 448 : index
    %get3A_912 = arith.constant 0 : index
    %get3A_913 = vector.load %arg6[%get3A_911, %get3A_912] : memref<2048x1024xf32, #tpu.memory_space<vmem>>, vector<32x1024xf32>
    %jit3A_914 = arith.constant 2.048000e+03 : f32
    %broadcast_in_dim3A_915 = vector.broadcast %jit3A_914 : f32 to vector<32x1024xf32>
    %select_n3A_916 = arith.select %eq3A_910, %get3A_913, %broadcast_in_dim3A_915 : vector<32x1024xi1>, vector<32x1024xf32>
    %min3A_917 = arith.minimumf %min3A_908, %select_n3A_916 : vector<32x1024xf32>
    %eq3A_918 = vector.broadcast %broadcast_in_dim3A : vector<1x1024xf32> to vector<32x1024xf32>
    %eq3A_919 = arith.cmpf oeq, %sub3A_193, %eq3A_918 : vector<32x1024xf32>
    %get3A_920 = arith.constant 480 : index
    %get3A_921 = arith.constant 0 : index
    %get3A_922 = vector.load %arg6[%get3A_920, %get3A_921] : memref<2048x1024xf32, #tpu.memory_space<vmem>>, vector<32x1024xf32>
    %jit3A_923 = arith.constant 2.048000e+03 : f32
    %broadcast_in_dim3A_924 = vector.broadcast %jit3A_923 : f32 to vector<32x1024xf32>
    %select_n3A_925 = arith.select %eq3A_919, %get3A_922, %broadcast_in_dim3A_924 : vector<32x1024xi1>, vector<32x1024xf32>
    %min3A_926 = arith.minimumf %min3A_917, %select_n3A_925 : vector<32x1024xf32>
    %eq3A_927 = vector.broadcast %broadcast_in_dim3A : vector<1x1024xf32> to vector<32x1024xf32>
    %eq3A_928 = arith.cmpf oeq, %sub3A_205, %eq3A_927 : vector<32x1024xf32>
    %get3A_929 = arith.constant 512 : index
    %get3A_930 = arith.constant 0 : index
    %get3A_931 = vector.load %arg6[%get3A_929, %get3A_930] : memref<2048x1024xf32, #tpu.memory_space<vmem>>, vector<32x1024xf32>
    %jit3A_932 = arith.constant 2.048000e+03 : f32
    %broadcast_in_dim3A_933 = vector.broadcast %jit3A_932 : f32 to vector<32x1024xf32>
    %select_n3A_934 = arith.select %eq3A_928, %get3A_931, %broadcast_in_dim3A_933 : vector<32x1024xi1>, vector<32x1024xf32>
    %min3A_935 = arith.minimumf %min3A_926, %select_n3A_934 : vector<32x1024xf32>
    %eq3A_936 = vector.broadcast %broadcast_in_dim3A : vector<1x1024xf32> to vector<32x1024xf32>
    %eq3A_937 = arith.cmpf oeq, %sub3A_217, %eq3A_936 : vector<32x1024xf32>
    %get3A_938 = arith.constant 544 : index
    %get3A_939 = arith.constant 0 : index
    %get3A_940 = vector.load %arg6[%get3A_938, %get3A_939] : memref<2048x1024xf32, #tpu.memory_space<vmem>>, vector<32x1024xf32>
    %jit3A_941 = arith.constant 2.048000e+03 : f32
    %broadcast_in_dim3A_942 = vector.broadcast %jit3A_941 : f32 to vector<32x1024xf32>
    %select_n3A_943 = arith.select %eq3A_937, %get3A_940, %broadcast_in_dim3A_942 : vector<32x1024xi1>, vector<32x1024xf32>
    %min3A_944 = arith.minimumf %min3A_935, %select_n3A_943 : vector<32x1024xf32>
    %eq3A_945 = vector.broadcast %broadcast_in_dim3A : vector<1x1024xf32> to vector<32x1024xf32>
    %eq3A_946 = arith.cmpf oeq, %sub3A_229, %eq3A_945 : vector<32x1024xf32>
    %get3A_947 = arith.constant 576 : index
    %get3A_948 = arith.constant 0 : index
    %get3A_949 = vector.load %arg6[%get3A_947, %get3A_948] : memref<2048x1024xf32, #tpu.memory_space<vmem>>, vector<32x1024xf32>
    %jit3A_950 = arith.constant 2.048000e+03 : f32
    %broadcast_in_dim3A_951 = vector.broadcast %jit3A_950 : f32 to vector<32x1024xf32>
    %select_n3A_952 = arith.select %eq3A_946, %get3A_949, %broadcast_in_dim3A_951 : vector<32x1024xi1>, vector<32x1024xf32>
    %min3A_953 = arith.minimumf %min3A_944, %select_n3A_952 : vector<32x1024xf32>
    %eq3A_954 = vector.broadcast %broadcast_in_dim3A : vector<1x1024xf32> to vector<32x1024xf32>
    %eq3A_955 = arith.cmpf oeq, %sub3A_241, %eq3A_954 : vector<32x1024xf32>
    %get3A_956 = arith.constant 608 : index
    %get3A_957 = arith.constant 0 : index
    %get3A_958 = vector.load %arg6[%get3A_956, %get3A_957] : memref<2048x1024xf32, #tpu.memory_space<vmem>>, vector<32x1024xf32>
    %jit3A_959 = arith.constant 2.048000e+03 : f32
    %broadcast_in_dim3A_960 = vector.broadcast %jit3A_959 : f32 to vector<32x1024xf32>
    %select_n3A_961 = arith.select %eq3A_955, %get3A_958, %broadcast_in_dim3A_960 : vector<32x1024xi1>, vector<32x1024xf32>
    %min3A_962 = arith.minimumf %min3A_953, %select_n3A_961 : vector<32x1024xf32>
    %eq3A_963 = vector.broadcast %broadcast_in_dim3A : vector<1x1024xf32> to vector<32x1024xf32>
    %eq3A_964 = arith.cmpf oeq, %sub3A_253, %eq3A_963 : vector<32x1024xf32>
    %get3A_965 = arith.constant 640 : index
    %get3A_966 = arith.constant 0 : index
    %get3A_967 = vector.load %arg6[%get3A_965, %get3A_966] : memref<2048x1024xf32, #tpu.memory_space<vmem>>, vector<32x1024xf32>
    %jit3A_968 = arith.constant 2.048000e+03 : f32
    %broadcast_in_dim3A_969 = vector.broadcast %jit3A_968 : f32 to vector<32x1024xf32>
    %select_n3A_970 = arith.select %eq3A_964, %get3A_967, %broadcast_in_dim3A_969 : vector<32x1024xi1>, vector<32x1024xf32>
    %min3A_971 = arith.minimumf %min3A_962, %select_n3A_970 : vector<32x1024xf32>
    %eq3A_972 = vector.broadcast %broadcast_in_dim3A : vector<1x1024xf32> to vector<32x1024xf32>
    %eq3A_973 = arith.cmpf oeq, %sub3A_265, %eq3A_972 : vector<32x1024xf32>
    %get3A_974 = arith.constant 672 : index
    %get3A_975 = arith.constant 0 : index
    %get3A_976 = vector.load %arg6[%get3A_974, %get3A_975] : memref<2048x1024xf32, #tpu.memory_space<vmem>>, vector<32x1024xf32>
    %jit3A_977 = arith.constant 2.048000e+03 : f32
    %broadcast_in_dim3A_978 = vector.broadcast %jit3A_977 : f32 to vector<32x1024xf32>
    %select_n3A_979 = arith.select %eq3A_973, %get3A_976, %broadcast_in_dim3A_978 : vector<32x1024xi1>, vector<32x1024xf32>
    %min3A_980 = arith.minimumf %min3A_971, %select_n3A_979 : vector<32x1024xf32>
    %eq3A_981 = vector.broadcast %broadcast_in_dim3A : vector<1x1024xf32> to vector<32x1024xf32>
    %eq3A_982 = arith.cmpf oeq, %sub3A_277, %eq3A_981 : vector<32x1024xf32>
    %get3A_983 = arith.constant 704 : index
    %get3A_984 = arith.constant 0 : index
    %get3A_985 = vector.load %arg6[%get3A_983, %get3A_984] : memref<2048x1024xf32, #tpu.memory_space<vmem>>, vector<32x1024xf32>
    %jit3A_986 = arith.constant 2.048000e+03 : f32
    %broadcast_in_dim3A_987 = vector.broadcast %jit3A_986 : f32 to vector<32x1024xf32>
    %select_n3A_988 = arith.select %eq3A_982, %get3A_985, %broadcast_in_dim3A_987 : vector<32x1024xi1>, vector<32x1024xf32>
    %min3A_989 = arith.minimumf %min3A_980, %select_n3A_988 : vector<32x1024xf32>
    %eq3A_990 = vector.broadcast %broadcast_in_dim3A : vector<1x1024xf32> to vector<32x1024xf32>
    %eq3A_991 = arith.cmpf oeq, %sub3A_289, %eq3A_990 : vector<32x1024xf32>
    %get3A_992 = arith.constant 736 : index
    %get3A_993 = arith.constant 0 : index
    %get3A_994 = vector.load %arg6[%get3A_992, %get3A_993] : memref<2048x1024xf32, #tpu.memory_space<vmem>>, vector<32x1024xf32>
    %jit3A_995 = arith.constant 2.048000e+03 : f32
    %broadcast_in_dim3A_996 = vector.broadcast %jit3A_995 : f32 to vector<32x1024xf32>
    %select_n3A_997 = arith.select %eq3A_991, %get3A_994, %broadcast_in_dim3A_996 : vector<32x1024xi1>, vector<32x1024xf32>
    %min3A_998 = arith.minimumf %min3A_989, %select_n3A_997 : vector<32x1024xf32>
    %eq3A_999 = vector.broadcast %broadcast_in_dim3A : vector<1x1024xf32> to vector<32x1024xf32>
    %eq3A_1000 = arith.cmpf oeq, %sub3A_301, %eq3A_999 : vector<32x1024xf32>
    %get3A_1001 = arith.constant 768 : index
    %get3A_1002 = arith.constant 0 : index
    %get3A_1003 = vector.load %arg6[%get3A_1001, %get3A_1002] : memref<2048x1024xf32, #tpu.memory_space<vmem>>, vector<32x1024xf32>
    %jit3A_1004 = arith.constant 2.048000e+03 : f32
    %broadcast_in_dim3A_1005 = vector.broadcast %jit3A_1004 : f32 to vector<32x1024xf32>
    %select_n3A_1006 = arith.select %eq3A_1000, %get3A_1003, %broadcast_in_dim3A_1005 : vector<32x1024xi1>, vector<32x1024xf32>
    %min3A_1007 = arith.minimumf %min3A_998, %select_n3A_1006 : vector<32x1024xf32>
    %eq3A_1008 = vector.broadcast %broadcast_in_dim3A : vector<1x1024xf32> to vector<32x1024xf32>
    %eq3A_1009 = arith.cmpf oeq, %sub3A_313, %eq3A_1008 : vector<32x1024xf32>
    %get3A_1010 = arith.constant 800 : index
    %get3A_1011 = arith.constant 0 : index
    %get3A_1012 = vector.load %arg6[%get3A_1010, %get3A_1011] : memref<2048x1024xf32, #tpu.memory_space<vmem>>, vector<32x1024xf32>
    %jit3A_1013 = arith.constant 2.048000e+03 : f32
    %broadcast_in_dim3A_1014 = vector.broadcast %jit3A_1013 : f32 to vector<32x1024xf32>
    %select_n3A_1015 = arith.select %eq3A_1009, %get3A_1012, %broadcast_in_dim3A_1014 : vector<32x1024xi1>, vector<32x1024xf32>
    %min3A_1016 = arith.minimumf %min3A_1007, %select_n3A_1015 : vector<32x1024xf32>
    %eq3A_1017 = vector.broadcast %broadcast_in_dim3A : vector<1x1024xf32> to vector<32x1024xf32>
    %eq3A_1018 = arith.cmpf oeq, %sub3A_325, %eq3A_1017 : vector<32x1024xf32>
    %get3A_1019 = arith.constant 832 : index
    %get3A_1020 = arith.constant 0 : index
    %get3A_1021 = vector.load %arg6[%get3A_1019, %get3A_1020] : memref<2048x1024xf32, #tpu.memory_space<vmem>>, vector<32x1024xf32>
    %jit3A_1022 = arith.constant 2.048000e+03 : f32
    %broadcast_in_dim3A_1023 = vector.broadcast %jit3A_1022 : f32 to vector<32x1024xf32>
    %select_n3A_1024 = arith.select %eq3A_1018, %get3A_1021, %broadcast_in_dim3A_1023 : vector<32x1024xi1>, vector<32x1024xf32>
    %min3A_1025 = arith.minimumf %min3A_1016, %select_n3A_1024 : vector<32x1024xf32>
    %eq3A_1026 = vector.broadcast %broadcast_in_dim3A : vector<1x1024xf32> to vector<32x1024xf32>
    %eq3A_1027 = arith.cmpf oeq, %sub3A_337, %eq3A_1026 : vector<32x1024xf32>
    %get3A_1028 = arith.constant 864 : index
    %get3A_1029 = arith.constant 0 : index
    %get3A_1030 = vector.load %arg6[%get3A_1028, %get3A_1029] : memref<2048x1024xf32, #tpu.memory_space<vmem>>, vector<32x1024xf32>
    %jit3A_1031 = arith.constant 2.048000e+03 : f32
    %broadcast_in_dim3A_1032 = vector.broadcast %jit3A_1031 : f32 to vector<32x1024xf32>
    %select_n3A_1033 = arith.select %eq3A_1027, %get3A_1030, %broadcast_in_dim3A_1032 : vector<32x1024xi1>, vector<32x1024xf32>
    %min3A_1034 = arith.minimumf %min3A_1025, %select_n3A_1033 : vector<32x1024xf32>
    %eq3A_1035 = vector.broadcast %broadcast_in_dim3A : vector<1x1024xf32> to vector<32x1024xf32>
    %eq3A_1036 = arith.cmpf oeq, %sub3A_349, %eq3A_1035 : vector<32x1024xf32>
    %get3A_1037 = arith.constant 896 : index
    %get3A_1038 = arith.constant 0 : index
    %get3A_1039 = vector.load %arg6[%get3A_1037, %get3A_1038] : memref<2048x1024xf32, #tpu.memory_space<vmem>>, vector<32x1024xf32>
    %jit3A_1040 = arith.constant 2.048000e+03 : f32
    %broadcast_in_dim3A_1041 = vector.broadcast %jit3A_1040 : f32 to vector<32x1024xf32>
    %select_n3A_1042 = arith.select %eq3A_1036, %get3A_1039, %broadcast_in_dim3A_1041 : vector<32x1024xi1>, vector<32x1024xf32>
    %min3A_1043 = arith.minimumf %min3A_1034, %select_n3A_1042 : vector<32x1024xf32>
    %eq3A_1044 = vector.broadcast %broadcast_in_dim3A : vector<1x1024xf32> to vector<32x1024xf32>
    %eq3A_1045 = arith.cmpf oeq, %sub3A_361, %eq3A_1044 : vector<32x1024xf32>
    %get3A_1046 = arith.constant 928 : index
    %get3A_1047 = arith.constant 0 : index
    %get3A_1048 = vector.load %arg6[%get3A_1046, %get3A_1047] : memref<2048x1024xf32, #tpu.memory_space<vmem>>, vector<32x1024xf32>
    %jit3A_1049 = arith.constant 2.048000e+03 : f32
    %broadcast_in_dim3A_1050 = vector.broadcast %jit3A_1049 : f32 to vector<32x1024xf32>
    %select_n3A_1051 = arith.select %eq3A_1045, %get3A_1048, %broadcast_in_dim3A_1050 : vector<32x1024xi1>, vector<32x1024xf32>
    %min3A_1052 = arith.minimumf %min3A_1043, %select_n3A_1051 : vector<32x1024xf32>
    %eq3A_1053 = vector.broadcast %broadcast_in_dim3A : vector<1x1024xf32> to vector<32x1024xf32>
    %eq3A_1054 = arith.cmpf oeq, %sub3A_373, %eq3A_1053 : vector<32x1024xf32>
    %get3A_1055 = arith.constant 960 : index
    %get3A_1056 = arith.constant 0 : index
    %get3A_1057 = vector.load %arg6[%get3A_1055, %get3A_1056] : memref<2048x1024xf32, #tpu.memory_space<vmem>>, vector<32x1024xf32>
    %jit3A_1058 = arith.constant 2.048000e+03 : f32
    %broadcast_in_dim3A_1059 = vector.broadcast %jit3A_1058 : f32 to vector<32x1024xf32>
    %select_n3A_1060 = arith.select %eq3A_1054, %get3A_1057, %broadcast_in_dim3A_1059 : vector<32x1024xi1>, vector<32x1024xf32>
    %min3A_1061 = arith.minimumf %min3A_1052, %select_n3A_1060 : vector<32x1024xf32>
    %eq3A_1062 = vector.broadcast %broadcast_in_dim3A : vector<1x1024xf32> to vector<32x1024xf32>
    %eq3A_1063 = arith.cmpf oeq, %sub3A_385, %eq3A_1062 : vector<32x1024xf32>
    %get3A_1064 = arith.constant 992 : index
    %get3A_1065 = arith.constant 0 : index
    %get3A_1066 = vector.load %arg6[%get3A_1064, %get3A_1065] : memref<2048x1024xf32, #tpu.memory_space<vmem>>, vector<32x1024xf32>
    %jit3A_1067 = arith.constant 2.048000e+03 : f32
    %broadcast_in_dim3A_1068 = vector.broadcast %jit3A_1067 : f32 to vector<32x1024xf32>
    %select_n3A_1069 = arith.select %eq3A_1063, %get3A_1066, %broadcast_in_dim3A_1068 : vector<32x1024xi1>, vector<32x1024xf32>
    %min3A_1070 = arith.minimumf %min3A_1061, %select_n3A_1069 : vector<32x1024xf32>
    %eq3A_1071 = vector.broadcast %broadcast_in_dim3A : vector<1x1024xf32> to vector<32x1024xf32>
    %eq3A_1072 = arith.cmpf oeq, %sub3A_397, %eq3A_1071 : vector<32x1024xf32>
    %get3A_1073 = arith.constant 1024 : index
    %get3A_1074 = arith.constant 0 : index
    %get3A_1075 = vector.load %arg6[%get3A_1073, %get3A_1074] : memref<2048x1024xf32, #tpu.memory_space<vmem>>, vector<32x1024xf32>
    %jit3A_1076 = arith.constant 2.048000e+03 : f32
    %broadcast_in_dim3A_1077 = vector.broadcast %jit3A_1076 : f32 to vector<32x1024xf32>
    %select_n3A_1078 = arith.select %eq3A_1072, %get3A_1075, %broadcast_in_dim3A_1077 : vector<32x1024xi1>, vector<32x1024xf32>
    %min3A_1079 = arith.minimumf %min3A_1070, %select_n3A_1078 : vector<32x1024xf32>
    %eq3A_1080 = vector.broadcast %broadcast_in_dim3A : vector<1x1024xf32> to vector<32x1024xf32>
    %eq3A_1081 = arith.cmpf oeq, %sub3A_409, %eq3A_1080 : vector<32x1024xf32>
    %get3A_1082 = arith.constant 1056 : index
    %get3A_1083 = arith.constant 0 : index
    %get3A_1084 = vector.load %arg6[%get3A_1082, %get3A_1083] : memref<2048x1024xf32, #tpu.memory_space<vmem>>, vector<32x1024xf32>
    %jit3A_1085 = arith.constant 2.048000e+03 : f32
    %broadcast_in_dim3A_1086 = vector.broadcast %jit3A_1085 : f32 to vector<32x1024xf32>
    %select_n3A_1087 = arith.select %eq3A_1081, %get3A_1084, %broadcast_in_dim3A_1086 : vector<32x1024xi1>, vector<32x1024xf32>
    %min3A_1088 = arith.minimumf %min3A_1079, %select_n3A_1087 : vector<32x1024xf32>
    %eq3A_1089 = vector.broadcast %broadcast_in_dim3A : vector<1x1024xf32> to vector<32x1024xf32>
    %eq3A_1090 = arith.cmpf oeq, %sub3A_421, %eq3A_1089 : vector<32x1024xf32>
    %get3A_1091 = arith.constant 1088 : index
    %get3A_1092 = arith.constant 0 : index
    %get3A_1093 = vector.load %arg6[%get3A_1091, %get3A_1092] : memref<2048x1024xf32, #tpu.memory_space<vmem>>, vector<32x1024xf32>
    %jit3A_1094 = arith.constant 2.048000e+03 : f32
    %broadcast_in_dim3A_1095 = vector.broadcast %jit3A_1094 : f32 to vector<32x1024xf32>
    %select_n3A_1096 = arith.select %eq3A_1090, %get3A_1093, %broadcast_in_dim3A_1095 : vector<32x1024xi1>, vector<32x1024xf32>
    %min3A_1097 = arith.minimumf %min3A_1088, %select_n3A_1096 : vector<32x1024xf32>
    %eq3A_1098 = vector.broadcast %broadcast_in_dim3A : vector<1x1024xf32> to vector<32x1024xf32>
    %eq3A_1099 = arith.cmpf oeq, %sub3A_433, %eq3A_1098 : vector<32x1024xf32>
    %get3A_1100 = arith.constant 1120 : index
    %get3A_1101 = arith.constant 0 : index
    %get3A_1102 = vector.load %arg6[%get3A_1100, %get3A_1101] : memref<2048x1024xf32, #tpu.memory_space<vmem>>, vector<32x1024xf32>
    %jit3A_1103 = arith.constant 2.048000e+03 : f32
    %broadcast_in_dim3A_1104 = vector.broadcast %jit3A_1103 : f32 to vector<32x1024xf32>
    %select_n3A_1105 = arith.select %eq3A_1099, %get3A_1102, %broadcast_in_dim3A_1104 : vector<32x1024xi1>, vector<32x1024xf32>
    %min3A_1106 = arith.minimumf %min3A_1097, %select_n3A_1105 : vector<32x1024xf32>
    %eq3A_1107 = vector.broadcast %broadcast_in_dim3A : vector<1x1024xf32> to vector<32x1024xf32>
    %eq3A_1108 = arith.cmpf oeq, %sub3A_445, %eq3A_1107 : vector<32x1024xf32>
    %get3A_1109 = arith.constant 1152 : index
    %get3A_1110 = arith.constant 0 : index
    %get3A_1111 = vector.load %arg6[%get3A_1109, %get3A_1110] : memref<2048x1024xf32, #tpu.memory_space<vmem>>, vector<32x1024xf32>
    %jit3A_1112 = arith.constant 2.048000e+03 : f32
    %broadcast_in_dim3A_1113 = vector.broadcast %jit3A_1112 : f32 to vector<32x1024xf32>
    %select_n3A_1114 = arith.select %eq3A_1108, %get3A_1111, %broadcast_in_dim3A_1113 : vector<32x1024xi1>, vector<32x1024xf32>
    %min3A_1115 = arith.minimumf %min3A_1106, %select_n3A_1114 : vector<32x1024xf32>
    %eq3A_1116 = vector.broadcast %broadcast_in_dim3A : vector<1x1024xf32> to vector<32x1024xf32>
    %eq3A_1117 = arith.cmpf oeq, %sub3A_457, %eq3A_1116 : vector<32x1024xf32>
    %get3A_1118 = arith.constant 1184 : index
    %get3A_1119 = arith.constant 0 : index
    %get3A_1120 = vector.load %arg6[%get3A_1118, %get3A_1119] : memref<2048x1024xf32, #tpu.memory_space<vmem>>, vector<32x1024xf32>
    %jit3A_1121 = arith.constant 2.048000e+03 : f32
    %broadcast_in_dim3A_1122 = vector.broadcast %jit3A_1121 : f32 to vector<32x1024xf32>
    %select_n3A_1123 = arith.select %eq3A_1117, %get3A_1120, %broadcast_in_dim3A_1122 : vector<32x1024xi1>, vector<32x1024xf32>
    %min3A_1124 = arith.minimumf %min3A_1115, %select_n3A_1123 : vector<32x1024xf32>
    %eq3A_1125 = vector.broadcast %broadcast_in_dim3A : vector<1x1024xf32> to vector<32x1024xf32>
    %eq3A_1126 = arith.cmpf oeq, %sub3A_469, %eq3A_1125 : vector<32x1024xf32>
    %get3A_1127 = arith.constant 1216 : index
    %get3A_1128 = arith.constant 0 : index
    %get3A_1129 = vector.load %arg6[%get3A_1127, %get3A_1128] : memref<2048x1024xf32, #tpu.memory_space<vmem>>, vector<32x1024xf32>
    %jit3A_1130 = arith.constant 2.048000e+03 : f32
    %broadcast_in_dim3A_1131 = vector.broadcast %jit3A_1130 : f32 to vector<32x1024xf32>
    %select_n3A_1132 = arith.select %eq3A_1126, %get3A_1129, %broadcast_in_dim3A_1131 : vector<32x1024xi1>, vector<32x1024xf32>
    %min3A_1133 = arith.minimumf %min3A_1124, %select_n3A_1132 : vector<32x1024xf32>
    %eq3A_1134 = vector.broadcast %broadcast_in_dim3A : vector<1x1024xf32> to vector<32x1024xf32>
    %eq3A_1135 = arith.cmpf oeq, %sub3A_481, %eq3A_1134 : vector<32x1024xf32>
    %get3A_1136 = arith.constant 1248 : index
    %get3A_1137 = arith.constant 0 : index
    %get3A_1138 = vector.load %arg6[%get3A_1136, %get3A_1137] : memref<2048x1024xf32, #tpu.memory_space<vmem>>, vector<32x1024xf32>
    %jit3A_1139 = arith.constant 2.048000e+03 : f32
    %broadcast_in_dim3A_1140 = vector.broadcast %jit3A_1139 : f32 to vector<32x1024xf32>
    %select_n3A_1141 = arith.select %eq3A_1135, %get3A_1138, %broadcast_in_dim3A_1140 : vector<32x1024xi1>, vector<32x1024xf32>
    %min3A_1142 = arith.minimumf %min3A_1133, %select_n3A_1141 : vector<32x1024xf32>
    %eq3A_1143 = vector.broadcast %broadcast_in_dim3A : vector<1x1024xf32> to vector<32x1024xf32>
    %eq3A_1144 = arith.cmpf oeq, %sub3A_493, %eq3A_1143 : vector<32x1024xf32>
    %get3A_1145 = arith.constant 1280 : index
    %get3A_1146 = arith.constant 0 : index
    %get3A_1147 = vector.load %arg6[%get3A_1145, %get3A_1146] : memref<2048x1024xf32, #tpu.memory_space<vmem>>, vector<32x1024xf32>
    %jit3A_1148 = arith.constant 2.048000e+03 : f32
    %broadcast_in_dim3A_1149 = vector.broadcast %jit3A_1148 : f32 to vector<32x1024xf32>
    %select_n3A_1150 = arith.select %eq3A_1144, %get3A_1147, %broadcast_in_dim3A_1149 : vector<32x1024xi1>, vector<32x1024xf32>
    %min3A_1151 = arith.minimumf %min3A_1142, %select_n3A_1150 : vector<32x1024xf32>
    %eq3A_1152 = vector.broadcast %broadcast_in_dim3A : vector<1x1024xf32> to vector<32x1024xf32>
    %eq3A_1153 = arith.cmpf oeq, %sub3A_505, %eq3A_1152 : vector<32x1024xf32>
    %get3A_1154 = arith.constant 1312 : index
    %get3A_1155 = arith.constant 0 : index
    %get3A_1156 = vector.load %arg6[%get3A_1154, %get3A_1155] : memref<2048x1024xf32, #tpu.memory_space<vmem>>, vector<32x1024xf32>
    %jit3A_1157 = arith.constant 2.048000e+03 : f32
    %broadcast_in_dim3A_1158 = vector.broadcast %jit3A_1157 : f32 to vector<32x1024xf32>
    %select_n3A_1159 = arith.select %eq3A_1153, %get3A_1156, %broadcast_in_dim3A_1158 : vector<32x1024xi1>, vector<32x1024xf32>
    %min3A_1160 = arith.minimumf %min3A_1151, %select_n3A_1159 : vector<32x1024xf32>
    %eq3A_1161 = vector.broadcast %broadcast_in_dim3A : vector<1x1024xf32> to vector<32x1024xf32>
    %eq3A_1162 = arith.cmpf oeq, %sub3A_517, %eq3A_1161 : vector<32x1024xf32>
    %get3A_1163 = arith.constant 1344 : index
    %get3A_1164 = arith.constant 0 : index
    %get3A_1165 = vector.load %arg6[%get3A_1163, %get3A_1164] : memref<2048x1024xf32, #tpu.memory_space<vmem>>, vector<32x1024xf32>
    %jit3A_1166 = arith.constant 2.048000e+03 : f32
    %broadcast_in_dim3A_1167 = vector.broadcast %jit3A_1166 : f32 to vector<32x1024xf32>
    %select_n3A_1168 = arith.select %eq3A_1162, %get3A_1165, %broadcast_in_dim3A_1167 : vector<32x1024xi1>, vector<32x1024xf32>
    %min3A_1169 = arith.minimumf %min3A_1160, %select_n3A_1168 : vector<32x1024xf32>
    %eq3A_1170 = vector.broadcast %broadcast_in_dim3A : vector<1x1024xf32> to vector<32x1024xf32>
    %eq3A_1171 = arith.cmpf oeq, %sub3A_529, %eq3A_1170 : vector<32x1024xf32>
    %get3A_1172 = arith.constant 1376 : index
    %get3A_1173 = arith.constant 0 : index
    %get3A_1174 = vector.load %arg6[%get3A_1172, %get3A_1173] : memref<2048x1024xf32, #tpu.memory_space<vmem>>, vector<32x1024xf32>
    %jit3A_1175 = arith.constant 2.048000e+03 : f32
    %broadcast_in_dim3A_1176 = vector.broadcast %jit3A_1175 : f32 to vector<32x1024xf32>
    %select_n3A_1177 = arith.select %eq3A_1171, %get3A_1174, %broadcast_in_dim3A_1176 : vector<32x1024xi1>, vector<32x1024xf32>
    %min3A_1178 = arith.minimumf %min3A_1169, %select_n3A_1177 : vector<32x1024xf32>
    %eq3A_1179 = vector.broadcast %broadcast_in_dim3A : vector<1x1024xf32> to vector<32x1024xf32>
    %eq3A_1180 = arith.cmpf oeq, %sub3A_541, %eq3A_1179 : vector<32x1024xf32>
    %get3A_1181 = arith.constant 1408 : index
    %get3A_1182 = arith.constant 0 : index
    %get3A_1183 = vector.load %arg6[%get3A_1181, %get3A_1182] : memref<2048x1024xf32, #tpu.memory_space<vmem>>, vector<32x1024xf32>
    %jit3A_1184 = arith.constant 2.048000e+03 : f32
    %broadcast_in_dim3A_1185 = vector.broadcast %jit3A_1184 : f32 to vector<32x1024xf32>
    %select_n3A_1186 = arith.select %eq3A_1180, %get3A_1183, %broadcast_in_dim3A_1185 : vector<32x1024xi1>, vector<32x1024xf32>
    %min3A_1187 = arith.minimumf %min3A_1178, %select_n3A_1186 : vector<32x1024xf32>
    %eq3A_1188 = vector.broadcast %broadcast_in_dim3A : vector<1x1024xf32> to vector<32x1024xf32>
    %eq3A_1189 = arith.cmpf oeq, %sub3A_553, %eq3A_1188 : vector<32x1024xf32>
    %get3A_1190 = arith.constant 1440 : index
    %get3A_1191 = arith.constant 0 : index
    %get3A_1192 = vector.load %arg6[%get3A_1190, %get3A_1191] : memref<2048x1024xf32, #tpu.memory_space<vmem>>, vector<32x1024xf32>
    %jit3A_1193 = arith.constant 2.048000e+03 : f32
    %broadcast_in_dim3A_1194 = vector.broadcast %jit3A_1193 : f32 to vector<32x1024xf32>
    %select_n3A_1195 = arith.select %eq3A_1189, %get3A_1192, %broadcast_in_dim3A_1194 : vector<32x1024xi1>, vector<32x1024xf32>
    %min3A_1196 = arith.minimumf %min3A_1187, %select_n3A_1195 : vector<32x1024xf32>
    %eq3A_1197 = vector.broadcast %broadcast_in_dim3A : vector<1x1024xf32> to vector<32x1024xf32>
    %eq3A_1198 = arith.cmpf oeq, %sub3A_565, %eq3A_1197 : vector<32x1024xf32>
    %get3A_1199 = arith.constant 1472 : index
    %get3A_1200 = arith.constant 0 : index
    %get3A_1201 = vector.load %arg6[%get3A_1199, %get3A_1200] : memref<2048x1024xf32, #tpu.memory_space<vmem>>, vector<32x1024xf32>
    %jit3A_1202 = arith.constant 2.048000e+03 : f32
    %broadcast_in_dim3A_1203 = vector.broadcast %jit3A_1202 : f32 to vector<32x1024xf32>
    %select_n3A_1204 = arith.select %eq3A_1198, %get3A_1201, %broadcast_in_dim3A_1203 : vector<32x1024xi1>, vector<32x1024xf32>
    %min3A_1205 = arith.minimumf %min3A_1196, %select_n3A_1204 : vector<32x1024xf32>
    %eq3A_1206 = vector.broadcast %broadcast_in_dim3A : vector<1x1024xf32> to vector<32x1024xf32>
    %eq3A_1207 = arith.cmpf oeq, %sub3A_577, %eq3A_1206 : vector<32x1024xf32>
    %get3A_1208 = arith.constant 1504 : index
    %get3A_1209 = arith.constant 0 : index
    %get3A_1210 = vector.load %arg6[%get3A_1208, %get3A_1209] : memref<2048x1024xf32, #tpu.memory_space<vmem>>, vector<32x1024xf32>
    %jit3A_1211 = arith.constant 2.048000e+03 : f32
    %broadcast_in_dim3A_1212 = vector.broadcast %jit3A_1211 : f32 to vector<32x1024xf32>
    %select_n3A_1213 = arith.select %eq3A_1207, %get3A_1210, %broadcast_in_dim3A_1212 : vector<32x1024xi1>, vector<32x1024xf32>
    %min3A_1214 = arith.minimumf %min3A_1205, %select_n3A_1213 : vector<32x1024xf32>
    %eq3A_1215 = vector.broadcast %broadcast_in_dim3A : vector<1x1024xf32> to vector<32x1024xf32>
    %eq3A_1216 = arith.cmpf oeq, %sub3A_589, %eq3A_1215 : vector<32x1024xf32>
    %get3A_1217 = arith.constant 1536 : index
    %get3A_1218 = arith.constant 0 : index
    %get3A_1219 = vector.load %arg6[%get3A_1217, %get3A_1218] : memref<2048x1024xf32, #tpu.memory_space<vmem>>, vector<32x1024xf32>
    %jit3A_1220 = arith.constant 2.048000e+03 : f32
    %broadcast_in_dim3A_1221 = vector.broadcast %jit3A_1220 : f32 to vector<32x1024xf32>
    %select_n3A_1222 = arith.select %eq3A_1216, %get3A_1219, %broadcast_in_dim3A_1221 : vector<32x1024xi1>, vector<32x1024xf32>
    %min3A_1223 = arith.minimumf %min3A_1214, %select_n3A_1222 : vector<32x1024xf32>
    %eq3A_1224 = vector.broadcast %broadcast_in_dim3A : vector<1x1024xf32> to vector<32x1024xf32>
    %eq3A_1225 = arith.cmpf oeq, %sub3A_601, %eq3A_1224 : vector<32x1024xf32>
    %get3A_1226 = arith.constant 1568 : index
    %get3A_1227 = arith.constant 0 : index
    %get3A_1228 = vector.load %arg6[%get3A_1226, %get3A_1227] : memref<2048x1024xf32, #tpu.memory_space<vmem>>, vector<32x1024xf32>
    %jit3A_1229 = arith.constant 2.048000e+03 : f32
    %broadcast_in_dim3A_1230 = vector.broadcast %jit3A_1229 : f32 to vector<32x1024xf32>
    %select_n3A_1231 = arith.select %eq3A_1225, %get3A_1228, %broadcast_in_dim3A_1230 : vector<32x1024xi1>, vector<32x1024xf32>
    %min3A_1232 = arith.minimumf %min3A_1223, %select_n3A_1231 : vector<32x1024xf32>
    %eq3A_1233 = vector.broadcast %broadcast_in_dim3A : vector<1x1024xf32> to vector<32x1024xf32>
    %eq3A_1234 = arith.cmpf oeq, %sub3A_613, %eq3A_1233 : vector<32x1024xf32>
    %get3A_1235 = arith.constant 1600 : index
    %get3A_1236 = arith.constant 0 : index
    %get3A_1237 = vector.load %arg6[%get3A_1235, %get3A_1236] : memref<2048x1024xf32, #tpu.memory_space<vmem>>, vector<32x1024xf32>
    %jit3A_1238 = arith.constant 2.048000e+03 : f32
    %broadcast_in_dim3A_1239 = vector.broadcast %jit3A_1238 : f32 to vector<32x1024xf32>
    %select_n3A_1240 = arith.select %eq3A_1234, %get3A_1237, %broadcast_in_dim3A_1239 : vector<32x1024xi1>, vector<32x1024xf32>
    %min3A_1241 = arith.minimumf %min3A_1232, %select_n3A_1240 : vector<32x1024xf32>
    %eq3A_1242 = vector.broadcast %broadcast_in_dim3A : vector<1x1024xf32> to vector<32x1024xf32>
    %eq3A_1243 = arith.cmpf oeq, %sub3A_625, %eq3A_1242 : vector<32x1024xf32>
    %get3A_1244 = arith.constant 1632 : index
    %get3A_1245 = arith.constant 0 : index
    %get3A_1246 = vector.load %arg6[%get3A_1244, %get3A_1245] : memref<2048x1024xf32, #tpu.memory_space<vmem>>, vector<32x1024xf32>
    %jit3A_1247 = arith.constant 2.048000e+03 : f32
    %broadcast_in_dim3A_1248 = vector.broadcast %jit3A_1247 : f32 to vector<32x1024xf32>
    %select_n3A_1249 = arith.select %eq3A_1243, %get3A_1246, %broadcast_in_dim3A_1248 : vector<32x1024xi1>, vector<32x1024xf32>
    %min3A_1250 = arith.minimumf %min3A_1241, %select_n3A_1249 : vector<32x1024xf32>
    %eq3A_1251 = vector.broadcast %broadcast_in_dim3A : vector<1x1024xf32> to vector<32x1024xf32>
    %eq3A_1252 = arith.cmpf oeq, %sub3A_637, %eq3A_1251 : vector<32x1024xf32>
    %get3A_1253 = arith.constant 1664 : index
    %get3A_1254 = arith.constant 0 : index
    %get3A_1255 = vector.load %arg6[%get3A_1253, %get3A_1254] : memref<2048x1024xf32, #tpu.memory_space<vmem>>, vector<32x1024xf32>
    %jit3A_1256 = arith.constant 2.048000e+03 : f32
    %broadcast_in_dim3A_1257 = vector.broadcast %jit3A_1256 : f32 to vector<32x1024xf32>
    %select_n3A_1258 = arith.select %eq3A_1252, %get3A_1255, %broadcast_in_dim3A_1257 : vector<32x1024xi1>, vector<32x1024xf32>
    %min3A_1259 = arith.minimumf %min3A_1250, %select_n3A_1258 : vector<32x1024xf32>
    %eq3A_1260 = vector.broadcast %broadcast_in_dim3A : vector<1x1024xf32> to vector<32x1024xf32>
    %eq3A_1261 = arith.cmpf oeq, %sub3A_649, %eq3A_1260 : vector<32x1024xf32>
    %get3A_1262 = arith.constant 1696 : index
    %get3A_1263 = arith.constant 0 : index
    %get3A_1264 = vector.load %arg6[%get3A_1262, %get3A_1263] : memref<2048x1024xf32, #tpu.memory_space<vmem>>, vector<32x1024xf32>
    %jit3A_1265 = arith.constant 2.048000e+03 : f32
    %broadcast_in_dim3A_1266 = vector.broadcast %jit3A_1265 : f32 to vector<32x1024xf32>
    %select_n3A_1267 = arith.select %eq3A_1261, %get3A_1264, %broadcast_in_dim3A_1266 : vector<32x1024xi1>, vector<32x1024xf32>
    %min3A_1268 = arith.minimumf %min3A_1259, %select_n3A_1267 : vector<32x1024xf32>
    %eq3A_1269 = vector.broadcast %broadcast_in_dim3A : vector<1x1024xf32> to vector<32x1024xf32>
    %eq3A_1270 = arith.cmpf oeq, %sub3A_661, %eq3A_1269 : vector<32x1024xf32>
    %get3A_1271 = arith.constant 1728 : index
    %get3A_1272 = arith.constant 0 : index
    %get3A_1273 = vector.load %arg6[%get3A_1271, %get3A_1272] : memref<2048x1024xf32, #tpu.memory_space<vmem>>, vector<32x1024xf32>
    %jit3A_1274 = arith.constant 2.048000e+03 : f32
    %broadcast_in_dim3A_1275 = vector.broadcast %jit3A_1274 : f32 to vector<32x1024xf32>
    %select_n3A_1276 = arith.select %eq3A_1270, %get3A_1273, %broadcast_in_dim3A_1275 : vector<32x1024xi1>, vector<32x1024xf32>
    %min3A_1277 = arith.minimumf %min3A_1268, %select_n3A_1276 : vector<32x1024xf32>
    %eq3A_1278 = vector.broadcast %broadcast_in_dim3A : vector<1x1024xf32> to vector<32x1024xf32>
    %eq3A_1279 = arith.cmpf oeq, %sub3A_673, %eq3A_1278 : vector<32x1024xf32>
    %get3A_1280 = arith.constant 1760 : index
    %get3A_1281 = arith.constant 0 : index
    %get3A_1282 = vector.load %arg6[%get3A_1280, %get3A_1281] : memref<2048x1024xf32, #tpu.memory_space<vmem>>, vector<32x1024xf32>
    %jit3A_1283 = arith.constant 2.048000e+03 : f32
    %broadcast_in_dim3A_1284 = vector.broadcast %jit3A_1283 : f32 to vector<32x1024xf32>
    %select_n3A_1285 = arith.select %eq3A_1279, %get3A_1282, %broadcast_in_dim3A_1284 : vector<32x1024xi1>, vector<32x1024xf32>
    %min3A_1286 = arith.minimumf %min3A_1277, %select_n3A_1285 : vector<32x1024xf32>
    %eq3A_1287 = vector.broadcast %broadcast_in_dim3A : vector<1x1024xf32> to vector<32x1024xf32>
    %eq3A_1288 = arith.cmpf oeq, %sub3A_685, %eq3A_1287 : vector<32x1024xf32>
    %get3A_1289 = arith.constant 1792 : index
    %get3A_1290 = arith.constant 0 : index
    %get3A_1291 = vector.load %arg6[%get3A_1289, %get3A_1290] : memref<2048x1024xf32, #tpu.memory_space<vmem>>, vector<32x1024xf32>
    %jit3A_1292 = arith.constant 2.048000e+03 : f32
    %broadcast_in_dim3A_1293 = vector.broadcast %jit3A_1292 : f32 to vector<32x1024xf32>
    %select_n3A_1294 = arith.select %eq3A_1288, %get3A_1291, %broadcast_in_dim3A_1293 : vector<32x1024xi1>, vector<32x1024xf32>
    %min3A_1295 = arith.minimumf %min3A_1286, %select_n3A_1294 : vector<32x1024xf32>
    %eq3A_1296 = vector.broadcast %broadcast_in_dim3A : vector<1x1024xf32> to vector<32x1024xf32>
    %eq3A_1297 = arith.cmpf oeq, %sub3A_697, %eq3A_1296 : vector<32x1024xf32>
    %get3A_1298 = arith.constant 1824 : index
    %get3A_1299 = arith.constant 0 : index
    %get3A_1300 = vector.load %arg6[%get3A_1298, %get3A_1299] : memref<2048x1024xf32, #tpu.memory_space<vmem>>, vector<32x1024xf32>
    %jit3A_1301 = arith.constant 2.048000e+03 : f32
    %broadcast_in_dim3A_1302 = vector.broadcast %jit3A_1301 : f32 to vector<32x1024xf32>
    %select_n3A_1303 = arith.select %eq3A_1297, %get3A_1300, %broadcast_in_dim3A_1302 : vector<32x1024xi1>, vector<32x1024xf32>
    %min3A_1304 = arith.minimumf %min3A_1295, %select_n3A_1303 : vector<32x1024xf32>
    %eq3A_1305 = vector.broadcast %broadcast_in_dim3A : vector<1x1024xf32> to vector<32x1024xf32>
    %eq3A_1306 = arith.cmpf oeq, %sub3A_709, %eq3A_1305 : vector<32x1024xf32>
    %get3A_1307 = arith.constant 1856 : index
    %get3A_1308 = arith.constant 0 : index
    %get3A_1309 = vector.load %arg6[%get3A_1307, %get3A_1308] : memref<2048x1024xf32, #tpu.memory_space<vmem>>, vector<32x1024xf32>
    %jit3A_1310 = arith.constant 2.048000e+03 : f32
    %broadcast_in_dim3A_1311 = vector.broadcast %jit3A_1310 : f32 to vector<32x1024xf32>
    %select_n3A_1312 = arith.select %eq3A_1306, %get3A_1309, %broadcast_in_dim3A_1311 : vector<32x1024xi1>, vector<32x1024xf32>
    %min3A_1313 = arith.minimumf %min3A_1304, %select_n3A_1312 : vector<32x1024xf32>
    %eq3A_1314 = vector.broadcast %broadcast_in_dim3A : vector<1x1024xf32> to vector<32x1024xf32>
    %eq3A_1315 = arith.cmpf oeq, %sub3A_721, %eq3A_1314 : vector<32x1024xf32>
    %get3A_1316 = arith.constant 1888 : index
    %get3A_1317 = arith.constant 0 : index
    %get3A_1318 = vector.load %arg6[%get3A_1316, %get3A_1317] : memref<2048x1024xf32, #tpu.memory_space<vmem>>, vector<32x1024xf32>
    %jit3A_1319 = arith.constant 2.048000e+03 : f32
    %broadcast_in_dim3A_1320 = vector.broadcast %jit3A_1319 : f32 to vector<32x1024xf32>
    %select_n3A_1321 = arith.select %eq3A_1315, %get3A_1318, %broadcast_in_dim3A_1320 : vector<32x1024xi1>, vector<32x1024xf32>
    %min3A_1322 = arith.minimumf %min3A_1313, %select_n3A_1321 : vector<32x1024xf32>
    %eq3A_1323 = vector.broadcast %broadcast_in_dim3A : vector<1x1024xf32> to vector<32x1024xf32>
    %eq3A_1324 = arith.cmpf oeq, %sub3A_733, %eq3A_1323 : vector<32x1024xf32>
    %get3A_1325 = arith.constant 1920 : index
    %get3A_1326 = arith.constant 0 : index
    %get3A_1327 = vector.load %arg6[%get3A_1325, %get3A_1326] : memref<2048x1024xf32, #tpu.memory_space<vmem>>, vector<32x1024xf32>
    %jit3A_1328 = arith.constant 2.048000e+03 : f32
    %broadcast_in_dim3A_1329 = vector.broadcast %jit3A_1328 : f32 to vector<32x1024xf32>
    %select_n3A_1330 = arith.select %eq3A_1324, %get3A_1327, %broadcast_in_dim3A_1329 : vector<32x1024xi1>, vector<32x1024xf32>
    %min3A_1331 = arith.minimumf %min3A_1322, %select_n3A_1330 : vector<32x1024xf32>
    %eq3A_1332 = vector.broadcast %broadcast_in_dim3A : vector<1x1024xf32> to vector<32x1024xf32>
    %eq3A_1333 = arith.cmpf oeq, %sub3A_745, %eq3A_1332 : vector<32x1024xf32>
    %get3A_1334 = arith.constant 1952 : index
    %get3A_1335 = arith.constant 0 : index
    %get3A_1336 = vector.load %arg6[%get3A_1334, %get3A_1335] : memref<2048x1024xf32, #tpu.memory_space<vmem>>, vector<32x1024xf32>
    %jit3A_1337 = arith.constant 2.048000e+03 : f32
    %broadcast_in_dim3A_1338 = vector.broadcast %jit3A_1337 : f32 to vector<32x1024xf32>
    %select_n3A_1339 = arith.select %eq3A_1333, %get3A_1336, %broadcast_in_dim3A_1338 : vector<32x1024xi1>, vector<32x1024xf32>
    %min3A_1340 = arith.minimumf %min3A_1331, %select_n3A_1339 : vector<32x1024xf32>
    %eq3A_1341 = vector.broadcast %broadcast_in_dim3A : vector<1x1024xf32> to vector<32x1024xf32>
    %eq3A_1342 = arith.cmpf oeq, %sub3A_757, %eq3A_1341 : vector<32x1024xf32>
    %get3A_1343 = arith.constant 1984 : index
    %get3A_1344 = arith.constant 0 : index
    %get3A_1345 = vector.load %arg6[%get3A_1343, %get3A_1344] : memref<2048x1024xf32, #tpu.memory_space<vmem>>, vector<32x1024xf32>
    %jit3A_1346 = arith.constant 2.048000e+03 : f32
    %broadcast_in_dim3A_1347 = vector.broadcast %jit3A_1346 : f32 to vector<32x1024xf32>
    %select_n3A_1348 = arith.select %eq3A_1342, %get3A_1345, %broadcast_in_dim3A_1347 : vector<32x1024xi1>, vector<32x1024xf32>
    %min3A_1349 = arith.minimumf %min3A_1340, %select_n3A_1348 : vector<32x1024xf32>
    %eq3A_1350 = vector.broadcast %broadcast_in_dim3A : vector<1x1024xf32> to vector<32x1024xf32>
    %eq3A_1351 = arith.cmpf oeq, %sub3A_769, %eq3A_1350 : vector<32x1024xf32>
    %get3A_1352 = arith.constant 2016 : index
    %get3A_1353 = arith.constant 0 : index
    %get3A_1354 = vector.load %arg6[%get3A_1352, %get3A_1353] : memref<2048x1024xf32, #tpu.memory_space<vmem>>, vector<32x1024xf32>
    %jit3A_1355 = arith.constant 2.048000e+03 : f32
    %broadcast_in_dim3A_1356 = vector.broadcast %jit3A_1355 : f32 to vector<32x1024xf32>
    %select_n3A_1357 = arith.select %eq3A_1351, %get3A_1354, %broadcast_in_dim3A_1356 : vector<32x1024xi1>, vector<32x1024xf32>
    %min3A_1358 = arith.minimumf %min3A_1349, %select_n3A_1357 : vector<32x1024xf32>
    %slice3A_1359 = vector.extract_strided_slice %min3A_1358 {offsets = [0, 0], sizes = [4, 1024], strides = [1, 1]} : vector<32x1024xf32> to vector<4x1024xf32>
    %slice3A_1360 = vector.extract_strided_slice %min3A_1358 {offsets = [4, 0], sizes = [4, 1024], strides = [1, 1]} : vector<32x1024xf32> to vector<4x1024xf32>
    %slice3A_1361 = vector.extract_strided_slice %min3A_1358 {offsets = [8, 0], sizes = [4, 1024], strides = [1, 1]} : vector<32x1024xf32> to vector<4x1024xf32>
    %slice3A_1362 = vector.extract_strided_slice %min3A_1358 {offsets = [12, 0], sizes = [4, 1024], strides = [1, 1]} : vector<32x1024xf32> to vector<4x1024xf32>
    %slice3A_1363 = vector.extract_strided_slice %min3A_1358 {offsets = [16, 0], sizes = [4, 1024], strides = [1, 1]} : vector<32x1024xf32> to vector<4x1024xf32>
    %slice3A_1364 = vector.extract_strided_slice %min3A_1358 {offsets = [20, 0], sizes = [4, 1024], strides = [1, 1]} : vector<32x1024xf32> to vector<4x1024xf32>
    %slice3A_1365 = vector.extract_strided_slice %min3A_1358 {offsets = [24, 0], sizes = [4, 1024], strides = [1, 1]} : vector<32x1024xf32> to vector<4x1024xf32>
    %slice3A_1366 = vector.extract_strided_slice %min3A_1358 {offsets = [28, 0], sizes = [4, 1024], strides = [1, 1]} : vector<32x1024xf32> to vector<4x1024xf32>
    %min3A_1367 = arith.minimumf %slice3A_1359, %slice3A_1360 : vector<4x1024xf32>
    %min3A_1368 = arith.minimumf %min3A_1367, %slice3A_1361 : vector<4x1024xf32>
    %min3A_1369 = arith.minimumf %min3A_1368, %slice3A_1362 : vector<4x1024xf32>
    %min3A_1370 = arith.minimumf %min3A_1369, %slice3A_1363 : vector<4x1024xf32>
    %min3A_1371 = arith.minimumf %min3A_1370, %slice3A_1364 : vector<4x1024xf32>
    %min3A_1372 = arith.minimumf %min3A_1371, %slice3A_1365 : vector<4x1024xf32>
    %min3A_1373 = arith.minimumf %min3A_1372, %slice3A_1366 : vector<4x1024xf32>
    %reduce_min3A_1374 = arith.constant dense<0x7F800000> : vector<1024xf32>
    %reduce_min3A_1375 = vector.multi_reduction <minimumf>, %min3A_1373, %reduce_min3A_1374 [0] : vector<4x1024xf32> to vector<1024xf32>
    %broadcast_in_dim3A_1376 = vector.shape_cast %reduce_min3A_1375 : vector<1024xf32> to vector<1x1024xf32>
    %convert_element_type3A = arith.fptosi %broadcast_in_dim3A_1376 : vector<1x1024xf32> to vector<1x1024xi32>
    %mul3A_1377 = arith.constant 2048 : i32
    %mul3A_1378 = arith.muli %arg0, %mul3A_1377 : i32
    %add3A_1379 = vector.broadcast %mul3A_1378 : i32 to vector<1x1024xi32>
    %add3A_1380 = arith.addi %convert_element_type3A, %add3A_1379 : vector<1x1024xi32>
    %mul3A_1381 = arith.constant 1024 : i32
    %mul3A_1382 = arith.muli %arg1, %mul3A_1381 : i32
    %eq3A_1383 = arith.constant 0 : i32
    %eq3A_1384 = arith.cmpi eq, %arg0, %eq3A_1383 : i32
    %convert_element_type3A_1385 = arith.extui %eq3A_1384 : i1 to i32
    %cond3A = arith.constant 0 : i32
    %cond3A_1386 = arith.cmpi ne, %convert_element_type3A_1385, %cond3A : i32
    scf.if %cond3A_1386 {
      %swap3A = arith.constant 0 : index
      %swap3A_1396 = arith.index_cast %mul3A_1382 : i32 to index
      %swap3A_1397 = vector.load %arg8[%swap3A, %swap3A_1396] : memref<1x8192xf32, #tpu.memory_space<vmem>>, vector<1x1024xf32>
      tpu.vector_store %arg8[%swap3A, %swap3A_1396], %broadcast_in_dim3A {strides = array<i32>} : memref<1x8192xf32, #tpu.memory_space<vmem>>, vector<1x1024xf32>,
      %swap3A_1398 = arith.constant 0 : index
      %swap3A_1399 = arith.index_cast %mul3A_1382 : i32 to index
      %swap3A_1400 = vector.load %arg9[%swap3A_1398, %swap3A_1399] : memref<1x8192xi32, #tpu.memory_space<vmem>>, vector<1x1024xi32>
      tpu.vector_store %arg9[%swap3A_1398, %swap3A_1399], %add3A_1380 {strides = array<i32>} : memref<1x8192xi32, #tpu.memory_space<vmem>>, vector<1x1024xi32>,
    } else {
    }
    %gt3A = arith.constant 0 : i32
    %gt3A_1387 = arith.cmpi sgt, %arg0, %gt3A : i32
    %convert_element_type3A_1388 = arith.extui %gt3A_1387 : i1 to i32
    %cond3A_1389 = arith.constant 0 : i32
    %cond3A_1390 = arith.cmpi ne, %convert_element_type3A_1388, %cond3A_1389 : i32
    scf.if %cond3A_1390 {
      %get3A_1396 = arith.constant 0 : index
      %get3A_1397 = arith.index_cast %mul3A_1382 : i32 to index
      %get3A_1398 = vector.load %arg8[%get3A_1396, %get3A_1397] : memref<1x8192xf32, #tpu.memory_space<vmem>>, vector<1x1024xf32>
      %lt3A = arith.cmpf olt, %broadcast_in_dim3A, %get3A_1398 : vector<1x1024xf32>
      %get3A_1399 = arith.constant 0 : index
      %get3A_1400 = arith.index_cast %mul3A_1382 : i32 to index
      %get3A_1401 = vector.load %arg8[%get3A_1399, %get3A_1400] : memref<1x8192xf32, #tpu.memory_space<vmem>>, vector<1x1024xf32>
      %select_n3A_1402 = arith.select %lt3A, %broadcast_in_dim3A, %get3A_1401 : vector<1x1024xi1>, vector<1x1024xf32>
      %swap3A = arith.constant 0 : index
      %swap3A_1403 = arith.index_cast %mul3A_1382 : i32 to index
      %swap3A_1404 = vector.load %arg8[%swap3A, %swap3A_1403] : memref<1x8192xf32, #tpu.memory_space<vmem>>, vector<1x1024xf32>
      tpu.vector_store %arg8[%swap3A, %swap3A_1403], %select_n3A_1402 {strides = array<i32>} : memref<1x8192xf32, #tpu.memory_space<vmem>>, vector<1x1024xf32>,
      %get3A_1405 = arith.constant 0 : index
      %get3A_1406 = arith.index_cast %mul3A_1382 : i32 to index
      %get3A_1407 = vector.load %arg9[%get3A_1405, %get3A_1406] : memref<1x8192xi32, #tpu.memory_space<vmem>>, vector<1x1024xi32>
      %select_n3A_1408 = arith.select %lt3A, %add3A_1380, %get3A_1407 : vector<1x1024xi1>, vector<1x1024xi32>
      %swap3A_1409 = arith.constant 0 : index
      %swap3A_1410 = arith.index_cast %mul3A_1382 : i32 to index
      %swap3A_1411 = vector.load %arg9[%swap3A_1409, %swap3A_1410] : memref<1x8192xi32, #tpu.memory_space<vmem>>, vector<1x1024xi32>
      tpu.vector_store %arg9[%swap3A_1409, %swap3A_1410], %select_n3A_1408 {strides = array<i32>} : memref<1x8192xi32, #tpu.memory_space<vmem>>, vector<1x1024xi32>,
    } else {
    }
    %eq3A_1391 = arith.constant 3 : i32
    %eq3A_1392 = arith.cmpi eq, %arg0, %eq3A_1391 : i32
    %convert_element_type3A_1393 = arith.extui %eq3A_1392 : i1 to i32
    %cond3A_1394 = arith.constant 0 : i32
    %cond3A_1395 = arith.cmpi ne, %convert_element_type3A_1393, %cond3A_1394 : i32
    scf.if %cond3A_1395 {
      %get3A_1396 = arith.constant 0 : index
      %get3A_1397 = arith.index_cast %mul3A_1382 : i32 to index
      %get3A_1398 = vector.load %arg9[%get3A_1396, %get3A_1397] : memref<1x8192xi32, #tpu.memory_space<vmem>>, vector<1x1024xi32>
      %squeeze3A = vector.shape_cast %get3A_1398 : vector<1x1024xi32> to vector<1024xi32>
      %swap3A = arith.constant 0 : index
      %swap3A_1399 = arith.constant 0 : index
      %swap3A_1400 = arith.constant 0 : index
      %swap3A_1401 = vector.load %arg7[%swap3A, %swap3A_1399, %swap3A_1400] : memref<1x1x1024xi32, #tpu.memory_space<vmem>>, vector<1x1x1024xi32>
      %swap3A_1402 = vector.shape_cast %swap3A_1401 : vector<1x1x1024xi32> to vector<1024xi32>
      %swap3A_1403 = vector.shape_cast %squeeze3A : vector<1024xi32> to vector<1x1x1024xi32>
      tpu.vector_store %arg7[%swap3A, %swap3A_1399, %swap3A_1400], %swap3A_1403 {strides = array<i32>} : memref<1x1x1024xi32, #tpu.memory_space<vmem>>, vector<1x1x1024xi32>,
    } else {
    }
    return
  }
  func.func @transform_0(%arg0: i32, %arg1: i32) -> (i32, i32) {
    %c0_i32 = arith.constant 0 : i32
    %c0_i32_0 = arith.constant 0 : i32
    return %arg1, %c0_i32 : i32, i32
  }
  func.func @transform_1(%arg0: i32, %arg1: i32) -> (i32, i32) {
    %c0_i32 = arith.constant 0 : i32
    %c0_i32_0 = arith.constant 0 : i32
    return %arg0, %c0_i32 : i32, i32
  }
  func.func @transform_2(%arg0: i32, %arg1: i32) -> (i32, i32) {
    %c0_i32 = arith.constant 0 : i32
    %c0_i32_0 = arith.constant 0 : i32
    return %c0_i32, %arg1 : i32, i32
  }
  func.func @transform_3(%arg0: i32, %arg1: i32) -> (i32, i32) {
    %c0_i32 = arith.constant 0 : i32
    %c0_i32_0 = arith.constant 0 : i32
    return %arg0, %c0_i32 : i32, i32
  }
  func.func @transform_4(%arg0: i32, %arg1: i32) -> (i32, i32) {
    %c0_i32 = arith.constant 0 : i32
    %c0_i32_0 = arith.constant 0 : i32
    %c0_i32_1 = arith.constant 0 : i32
    return %c0_i32, %c0_i32_0 : i32, i32
  }
  func.func @transform_5(%arg0: i32, %arg1: i32) -> (i32, i32, i32) {
    %c0_i32 = arith.constant 0 : i32
    %c0_i32_0 = arith.constant 0 : i32
    %c0_i32_1 = arith.constant 0 : i32
    return %arg1, %c0_i32, %c0_i32_0 : i32, i32, i32
  }
}

module attributes {stable_mosaic.version = 14 : i64} {
  func.func @_assemble_body(%arg0: i32, %arg1: memref<1x1024x256xf32, #tpu.memory_space<vmem>>, %arg2: memref<1x256x1024xf32, #tpu.memory_space<vmem>>, %arg3: memref<1x256x1024xf32, #tpu.memory_space<vmem>>, %arg4: memref<1x1xf32, #tpu.memory_space<vmem>>, %arg5: memref<1x1xf32, #tpu.memory_space<smem>>) attributes {dimension_semantics = [#tpu.dimension_semantics<arbitrary>], iteration_bounds = array<i64: 8>, scalar_prefetch = 0 : i64, scratch_operands = 1 : i64, tpu.core_type = #tpu.core_type<tc>, window_params = [{transform_indices = @transform_0, window_bounds = array<i64: 1, 1024, 256>}, {transform_indices = @transform_1, window_bounds = array<i64: 1, 256, 1024>}, {transform_indices = @transform_2, window_bounds = array<i64: 1, 256, 1024>}, {pipeline_mode = #tpu.pipeline_mode<synchronous>, transform_indices = @transform_3, window_bounds = array<i64: 1, 1>}]} {
    %get3A = arith.constant 0 : index
    %get3A_0 = arith.constant 0 : index
    %get3A_1 = arith.constant 0 : index
    %get3A_2 = vector.load %arg1[%get3A, %get3A_0, %get3A_1] : memref<1x1024x256xf32, #tpu.memory_space<vmem>>, vector<1x1024x256xf32>
    %get3A_3 = vector.shape_cast %get3A_2 : vector<1x1024x256xf32> to vector<1024x256xf32>
    %transpose3A = tpu.transpose %get3A_3, [1, 0] : vector<1024x256xf32> -> vector<256x1024xf32>
    %get3A_4 = arith.constant 0 : index
    %get3A_5 = arith.constant 0 : index
    %get3A_6 = arith.constant 0 : index
    %get3A_7 = vector.load %arg2[%get3A_4, %get3A_5, %get3A_6] : memref<1x256x1024xf32, #tpu.memory_space<vmem>>, vector<1x256x1024xf32>
    %get3A_8 = vector.shape_cast %get3A_7 : vector<1x256x1024xf32> to vector<256x1024xf32>
    %sub3A = arith.subf %transpose3A, %get3A_8 : vector<256x1024xf32>
    %add3A = arith.addf %get3A_8, %sub3A : vector<256x1024xf32>
    %swap3A = arith.constant 0 : index
    %swap3A_9 = arith.constant 0 : index
    %swap3A_10 = arith.constant 0 : index
    %swap3A_11 = vector.load %arg3[%swap3A, %swap3A_9, %swap3A_10] : memref<1x256x1024xf32, #tpu.memory_space<vmem>>, vector<1x256x1024xf32>
    %swap3A_12 = vector.shape_cast %swap3A_11 : vector<1x256x1024xf32> to vector<256x1024xf32>
    %swap3A_13 = vector.shape_cast %add3A : vector<256x1024xf32> to vector<1x256x1024xf32>
    tpu.vector_store %arg3[%swap3A, %swap3A_9, %swap3A_10], %swap3A_13 {strides = array<i32>} : memref<1x256x1024xf32, #tpu.memory_space<vmem>>, vector<1x256x1024xf32>,
    %sub3A_14 = arith.subf %transpose3A, %get3A_8 : vector<256x1024xf32>
    %mul3A = arith.mulf %sub3A_14, %sub3A_14 : vector<256x1024xf32>
    %mul3A_15 = arith.constant 2.500000e-01 : f32
    %mul3A_16 = vector.broadcast %mul3A_15 : f32 to vector<256x1024xf32>
    %mul3A_17 = arith.mulf %mul3A, %mul3A_16 : vector<256x1024xf32>
    %add3A_18 = arith.addf %mul3A_17, %mul3A : vector<256x1024xf32>
    %reduce_sum3A = vector.shape_cast %add3A_18 : vector<256x1024xf32> to vector<1x256x1024xf32>
    %reduce_sum3A_19 = arith.constant dense<0.000000e+00> : vector<1xf32>
    %reduce_sum3A_20 = vector.multi_reduction <add>, %reduce_sum3A, %reduce_sum3A_19 [1, 2] : vector<1x256x1024xf32> to vector<1xf32>
    %reduce_sum3A_21 = vector.shape_cast %reduce_sum3A_20 : vector<1xf32> to vector<1x1x1xf32>
    %reduce_sum3A_22 = vector.extract %reduce_sum3A_21[0, 0, 0] : f32 from vector<1x1x1xf32>
    %eq3A = arith.constant 0 : i32
    %eq3A_23 = arith.cmpi eq, %arg0, %eq3A : i32
    %convert_element_type3A = arith.extui %eq3A_23 : i1 to i32
    %cond3A = arith.constant 0 : i32
    %cond3A_24 = arith.cmpi ne, %convert_element_type3A, %cond3A : i32
    scf.if %cond3A_24 {
      %swap3A_34 = arith.constant 0 : index
      %swap3A_35 = arith.constant 0 : index
      %swap3A_36 = memref.load %arg5[%swap3A_34, %swap3A_35] : memref<1x1xf32, #tpu.memory_space<smem>>
      memref.store %reduce_sum3A_22, %arg5[%swap3A_34, %swap3A_35] : memref<1x1xf32, #tpu.memory_space<smem>>
    } else {
    }
    %gt3A = arith.constant 0 : i32
    %gt3A_25 = arith.cmpi sgt, %arg0, %gt3A : i32
    %convert_element_type3A_26 = arith.extui %gt3A_25 : i1 to i32
    %cond3A_27 = arith.constant 0 : i32
    %cond3A_28 = arith.cmpi ne, %convert_element_type3A_26, %cond3A_27 : i32
    scf.if %cond3A_28 {
      %get3A_34 = arith.constant 0 : index
      %get3A_35 = arith.constant 0 : index
      %get3A_36 = memref.load %arg5[%get3A_34, %get3A_35] : memref<1x1xf32, #tpu.memory_space<smem>>
      %add3A_37 = arith.addf %get3A_36, %reduce_sum3A_22 : f32
      %swap3A_38 = arith.constant 0 : index
      %swap3A_39 = arith.constant 0 : index
      %swap3A_40 = memref.load %arg5[%swap3A_38, %swap3A_39] : memref<1x1xf32, #tpu.memory_space<smem>>
      memref.store %add3A_37, %arg5[%swap3A_38, %swap3A_39] : memref<1x1xf32, #tpu.memory_space<smem>>
    } else {
    }
    %eq3A_29 = arith.constant 7 : i32
    %eq3A_30 = arith.cmpi eq, %arg0, %eq3A_29 : i32
    %convert_element_type3A_31 = arith.extui %eq3A_30 : i1 to i32
    %cond3A_32 = arith.constant 0 : i32
    %cond3A_33 = arith.cmpi ne, %convert_element_type3A_31, %cond3A_32 : i32
    scf.if %cond3A_33 {
      %get3A_34 = arith.constant 0 : index
      %get3A_35 = arith.constant 0 : index
      %get3A_36 = memref.load %arg5[%get3A_34, %get3A_35] : memref<1x1xf32, #tpu.memory_space<smem>>
      %mul3A_37 = arith.constant 4.76837158E-7 : f32
      %mul3A_38 = arith.mulf %get3A_36, %mul3A_37 : f32
      %broadcast_in_dim3A = vector.broadcast %mul3A_38 : f32 to vector<1x1xf32>
      %swap3A_39 = arith.constant 0 : index
      %swap3A_40 = arith.constant 0 : index
      %swap3A_41 = vector.load %arg4[%swap3A_39, %swap3A_40] : memref<1x1xf32, #tpu.memory_space<vmem>>, vector<1x1xf32>
      tpu.vector_store %arg4[%swap3A_39, %swap3A_40], %broadcast_in_dim3A {strides = array<i32>} : memref<1x1xf32, #tpu.memory_space<vmem>>, vector<1x1xf32>,
    } else {
    }
    return
  }
  func.func @transform_0(%arg0: i32) -> (i32, i32, i32) {
    %c0_i32 = arith.constant 0 : i32
    %c0_i32_0 = arith.constant 0 : i32
    %c0_i32_1 = arith.constant 0 : i32
    return %arg0, %c0_i32, %c0_i32_0 : i32, i32, i32
  }
  func.func @transform_1(%arg0: i32) -> (i32, i32, i32) {
    %c0_i32 = arith.constant 0 : i32
    %c0_i32_0 = arith.constant 0 : i32
    %c0_i32_1 = arith.constant 0 : i32
    return %arg0, %c0_i32, %c0_i32_0 : i32, i32, i32
  }
  func.func @transform_2(%arg0: i32) -> (i32, i32, i32) {
    %c0_i32 = arith.constant 0 : i32
    %c0_i32_0 = arith.constant 0 : i32
    %c0_i32_1 = arith.constant 0 : i32
    return %arg0, %c0_i32, %c0_i32_0 : i32, i32, i32
  }
  func.func @transform_3(%arg0: i32) -> (i32, i32) {
    %c0_i32 = arith.constant 0 : i32
    %c0_i32_0 = arith.constant 0 : i32
    %c0_i32_1 = arith.constant 0 : i32
    return %c0_i32, %c0_i32_0 : i32, i32
  }
}

</mosaic_0001>

<sc_bundles>
// kernel: kernel.5.cloned.1.call-start
scs
__scs_entry_jumppad:
0x0: {  	(pc) =	sbr.rel $0x88, $3  }
0x1: {  	(tag) =	ssettag $0x0;
	lr =	simm.s32 $0x1  }
0x2: {  	[smem:$0x3F9F] =	sst lr;
	_ =	strace $0xD0000000  }
0x3: {  	_ = 	snop  }
0x4: {  	_ = 	snop  }
0x5: {  	_ = 	snop  }
0x6: {  	_ = 	snop  }
0x7: {  	_ = 	snop  }
__scs_overlays_trampoline_lowered:
0x8: {  	[smem:$0x3FAE] =	sst s0  }
0x9: {  	[smem:$0x3FAF] =	sst s1  }
0xa: {  	[smem:$0x3FB0] =	sst s2  }
0xb: {  	[smem:$0x3FB1] =	sst s3  }
0xc: {  	[smem:$0x3FB2] =	sst s4  }
0xd: {  	[smem:$0x3FB3] =	sst s5  }
0xe: {  	[smem:$0x3FB4] =	sst s6  }
0xf: {  	[smem:$0x3FB5] =	sst s7  }
0x10: {  	[smem:$0x3FB6] =	sst s8  }
0x11: {  	[smem:$0x3FB7] =	sst s9;
	s0 =	simm.s32 @!p0 $0x0  }
0x12: {  	s1 =	sld [smem:$0x3F9D];
	s0 =	simm.s32 @p0 $0x1  }
0x13: {  	[smem:$0x3FB8] =	sst s0;
	s0 =	simm.s32 @!p1 $0x0  }
0x14: {  	s2 =	sld [smem:$0x3F9C];
	s0 =	simm.s32 @p1 $0x1  }
0x15: {  	[smem:$0x3FB9] =	sst s0;
	s0 =	simm.s32 @!p2 $0x0  }
0x16: {  	s3 =	sld [smem:$0x3FDB];
	s0 =	simm.s32 @p2 $0x1  }
0x17: {  	s4 =	simm.s32 $0x1BF5;
	[smem:$0x3FBB] =	sst s0  }
0x18: {  	s0 =	sld [smem:$0x3F9E];
	_ =	swait.ge [sflag:s4], $0x0  }
0x19: {  	s7 =	sld [smem:$0x3F9F]  }
0x1a: {  	s8 =	sadd.s32 $0xFFFFE003, lr  }
0x1b: {  	s9 =	sadd.s32 $0xFFFFFEF7, lr;
	s5 =	simm.s32 $0xFFFFFFFF;
	p2 =	slt.u32 s8, $0xFFFFF086  }
0x1c: {  	p1 =	slt.u32 s9, $0xF7A;
	s5 =	simm.s32 @!p2 $0x0  }
0x1d: {  	s5 =	simm.s32 @p1 $0x1;
	p0 =	seq.s32 s7, s2  }
0x1e: {  	s7 =	smul.u32 @!p0 $0xF7A, s2;
	p2 =	seq.s32 @!p0 s5, $0x0  }
0x1f: {  	s9 =	smul.u32 $0xF7A, s1;
	s8 =	simm.s32 @!p0 $0x1BF5;
	p2 =	por !p2, p0  }
0x20: {  	[sflag:s8] =	ssyncset.s32 @!p0 $0xFFFFF086;
	s6 =	sadd.s32 @!p0 s3, s7;
	s7 =	simm.s32 @!p0 $0x108  }
0x21: {  	s3 =	sadd.s32 s3, s9;
	s6 =	sadd.s32 @!p0 $0x88, s6;
	s7 =	simm.s32 @p2 $0x1082  }
0x22: {  	[simem:s7], [sflag:s8] =	dma.local @!p0 [hbm:s6], $0xF7A  }
0x23: {  	s9 =	sor.u32 $0xD0000000, s2;
	s6 =	simm.s32 $0x108;
	_ =	swait.ge @!p0 [sflag:s8], $0x0  }
0x24: {  	s3 =	sadd.s32 $0x88, s3;
	s6 =	simm.s32 @!p1 $0x1082;
	[sflag:s4] =	ssyncset.s32 $0xFFFFF086  }
0x25: {  	[simem:s6], [sflag:s4] =	dma.local [hbm:s3], $0xF7A  }
0x26: {  	[smem:$0x3F9F] =	sst s1;
	(tag) =	ssettag s2;
	_ =	strace s9  }
0x27: {  	s1 =	sld [smem:$0x3FAF]  }
0x28: {  	s2 =	sld [smem:$0x3FB0]  }
0x29: {  	s4 =	sld [smem:$0x3FB2]  }
0x2a: {  	p0 =	seq.s32 s5, $0x0;
	s5 =	sld [smem:$0x3FB3]  }
0x2b: {  	s6 =	sld [smem:$0x3FB4]  }
0x2c: {  	s7 =	sld [smem:$0x3FB5]  }
0x2d: {  	s3 =	simm.s32 $0x108;
	s8 =	sld [smem:$0x3FB6]  }
0x2e: {  	s3 =	simm.s32 @!p0 $0x1082;
	s9 =	sld [smem:$0x3FB7]  }
0x2f: {  	lr =	sadd.s32 s0, s3;
	s0 =	sld [smem:$0x3FAE]  }
0x30: {  	s3 =	sld [smem:$0x3FB1]  }
0x31: {  	[smem:$0x3FBA] =	sst s10  }
0x32: {  	s10 =	sld [smem:$0x3FB8];
	_ =	sdelay $0x3  }
0x33: {  	p0 =	seq.s32 s10, $0x1;
	s10 =	sld [smem:$0x3FBA];
	_ =	sdelay $0x3  }
0x34: {  	[smem:$0x3FBA] =	sst s10  }
0x35: {  	s10 =	sld [smem:$0x3FB9];
	_ =	sdelay $0x3  }
0x36: {  	p1 =	seq.s32 s10, $0x1;
	s10 =	sld [smem:$0x3FBA];
	_ =	sdelay $0x3  }
0x37: {  	[smem:$0x3FBA] =	sst s10  }
0x38: {  	s10 =	sld [smem:$0x3FBB]  }
0x39: {  	_ = 	snop;
	(pc) =	sbr.ind lr, $3  }
0x3a: {  	_ = 	snop  }
0x3b: {  	_ = 	snop  }
0x3c: {  	p2 =	seq.s32 s10, $0x1;
	s10 =	sld [smem:$0x3FBA]  }
0x3d: {  	_ =	shalt  }
0x3e: {  	_ =	shalt  }
0x3f: {  	_ =	shalt  }
0x40: {  	_ =	shalt  }
0x41: {  	_ =	shalt  }
0x42: {  	_ =	shalt  }
0x43: {  	_ =	shalt  }
0x44: {  	_ =	shalt  }
0x45: {  	_ =	shalt  }
0x46: {  	_ =	shalt  }
0x47: {  	_ =	shalt  }
0x48: {  	_ =	shalt  }
0x49: {  	_ =	shalt  }
0x4a: {  	_ =	shalt  }
0x4b: {  	_ =	shalt  }
0x4c: {  	_ =	shalt  }
0x4d: {  	_ =	shalt  }
0x4e: {  	_ =	shalt  }
0x4f: {  	_ =	shalt  }
0x50: {  	_ =	shalt  }
0x51: {  	_ =	shalt  }
0x52: {  	_ =	shalt  }
0x53: {  	_ =	shalt  }
0x54: {  	_ =	shalt  }
0x55: {  	_ =	shalt  }
0x56: {  	_ =	shalt  }
0x57: {  	_ =	shalt  }
0x58: {  	_ =	shalt  }
0x59: {  	_ =	shalt  }
0x5a: {  	_ =	shalt  }
0x5b: {  	_ =	shalt  }
0x5c: {  	_ =	shalt  }
0x5d: {  	_ =	shalt  }
0x5e: {  	_ =	shalt  }
0x5f: {  	_ =	shalt  }
0x60: {  	_ =	shalt  }
0x61: {  	_ =	shalt  }
0x62: {  	_ =	shalt  }
0x63: {  	_ =	shalt  }
0x64: {  	_ =	shalt  }
0x65: {  	_ =	shalt  }
0x66: {  	_ =	shalt  }
0x67: {  	_ =	shalt  }
0x68: {  	_ =	shalt  }
0x69: {  	_ =	shalt  }
0x6a: {  	_ =	shalt  }
0x6b: {  	_ =	shalt  }
0x6c: {  	_ =	shalt  }
0x6d: {  	_ =	shalt  }
0x6e: {  	_ =	shalt  }
0x6f: {  	_ =	shalt  }
0x70: {  	_ =	shalt  }
0x71: {  	_ =	shalt  }
0x72: {  	_ =	shalt  }
0x73: {  	_ =	shalt  }
0x74: {  	_ =	shalt  }
0x75: {  	_ =	shalt  }
0x76: {  	_ =	shalt  }
0x77: {  	_ =	shalt  }
0x78: {  	_ =	shalt  }
0x79: {  	_ =	shalt  }
0x7a: {  	_ =	shalt  }
0x7b: {  	_ =	shalt  }
0x7c: {  	_ =	shalt  }
0x7d: {  	_ =	shalt  }
0x7e: {  	_ =	shalt  }
0x7f: {  	_ =	shalt  }
0x80: {  	_ =	shalt  }
0x81: {  	_ =	shalt  }
0x82: {  	_ =	shalt  }
0x83: {  	_ =	shalt  }
0x84: {  	_ =	shalt  }
0x85: {  	_ =	shalt  }
0x86: {  	_ =	shalt  }
0x87: {  	_ =	shalt  }
.Lfunc_end0:
.L_simem_size_0:
called_computation_lowered:
.L_overlay_start_0:
0x88: {  	s2 =	sld [smem:$0x3FD9]  }
0x89: {  	s3 =	sld [smem:$0x3FFE];
	_ =	sdelay $0x1  }
0x8a: {  	s1 =	srdreg.scid  }
0x8b: {  	s0 =	sand.u32 $0x1, s1  }
0x8c: {  	s17 =	sshll.u32 s0, $0xA;
	s2 =	sadd.s32 s3, s2  }
0x8d: {  	s2 =	sadd.s32 s2, s17  }
0x8e: {  	[smem:$0x3FC6] =	sst s2  }
0x8f: {  	_ = 	snop  }
0x90: {  	s2 =	sld [smem:$0x3FC8];
	(tm) =	ssettm $0x1  }
0x91: {  	s18 =	sld [smem:$0x3FFB];
	_ =	sdelay $0x3  }
0x92: {  	_ =	strace s18  }
0x93: {  	s3 =	sld [smem:$0x3FFC];
	_ =	sdelay $0x3  }
0x94: {  	_ =	strace s3  }
0x95: {  	s3 =	sld [smem:$0x3FFD];
	_ =	sdelay $0x3  }
0x96: {  	_ =	strace s3  }
0x97: {  	_ =	strace $0x8FFFFFFF  }
0x98: {  	s19 =	sld [smem:$0x3FDB];
	_ =	sdelay $0x1  }
0x99: {  	s4 =	simm.s32 $_scs_section_size  }
0x9a: {  	s5 =	simm.s32 $_size__tile_overlayer_lowered;
	s6 =	simm.s32 $_tile_overlayer_lowered  }
0x9b: {  	s22 =	simm.s32 $0x1BFF;
	s21 =	sshll.u32 s6, $0x1;
	s3 =	sadd.s32 s4, s19  }
0x9c: {  	s7 =	simm.s32 $0x0;
	s20 =	sshll.u32 s5, $0x1;
	s5 =	sadd.s32 s21, s3  }
0x9d: {  	[timem:s7], [sflag:s22] =	dma.local [hbm:s5], s20  }
0x9e: {  	_ =	swait.ge [sflag:s22], s20  }
0x9f: {  	s4 =	ssub.s32 $0x0, s20;
	[sflag:s22] =	ssyncset.done $0x0  }
0xa0: {  	[sflag:s22] =	ssyncadd.s32 s4;
	_ =	sdelay $0x1  }
0xa1: {  	s23 =	simm.s32 $0x1B8B  }
0xa2: {  	_ =	swait.ge [sflag:s23], $0x1  }
0xa3: {  	[sflag:s23] =	ssyncset.done $0x0  }
0xa4: {  	s25 =	simm.s32 $0x1B8E;
	s24 =	sld [smem:$0x3FFE];
	[sflag:s23] =	ssyncadd.s32 $0xFFFFFFFF  }
0xa5: {  	s26 =	simm.s32 $execute0_lowered;
	[smem:$0x3FD2] =	sst s25  }
0xa6: {  	s5 =	sshll.u32 s26, $0x1;
	_ =	strace $0x80000046;
	[dreg:$0x1] =	wrdreg $0xFFFFFFFF  }
0xa7: {  	s28 =	simm.s32 $_size_execute0_lowered;
	s3 =	sadd.s32 s3, s5;
	[dreg:$0x0] =	wrdreg $0x0  }
0xa8: {  	s5 =	sshll.u32 s28, $0x1;
	[dreg:$0x2] =	wrdreg s3  }
0xa9: {  	[dreg:$0x3] =	wrdreg s5  }
0xaa: {  	[dreg:$0x4] =	wrdreg $0xC0  }
0xab: {  	_ =	task [dreg:s7], $0x5FFFF  }
0xac: {  	[dreg:$0x1] =	wrdreg $0xFFFFFFFF  }
0xad: {  	[dreg:$0x0] =	wrdreg $0x60  }
0xae: {  	[dreg:$0x2] =	wrdreg s2  }
0xaf: {  	[dreg:$0x3] =	wrdreg s24  }
0xb0: {  	[dreg:$0x4] =	wrdreg $0x9  }
0xb1: {  	_ =	task.clear_ibuf [dreg:s7], $0x5FFFF;
	_ =	strace $0x90000046  }
0xb2: {  	s29 =	simm.s32 $0x9;
	_ =	strace $0x80000048  }
0xb3: {  	_ =	swait.ge [sflag:s29], $0x1  }
0xb4: {  	[sflag:s29] =	ssyncadd.s32 $0xFFFFFFFF  }
0xb5: {  	_ =	strace $0x90000048  }
0xb6: {  	_ =	sfence  }
0xb7: {  	s30 =	sld [smem:$0x0];
	_ =	sdelay $0x2  }
0xb8: {  	s31 =	sshll.u32 s1, $0xD;
	s1 =	sshrl.u32 s1, $0x2  }
0xb9: {  	s3 =	sand.u32 $0x4000, s31;
	s1 =	sadd.s32 s1, s30  }
0xba: {  	s0 =	sor.u32 s3, s0;
	s1 =	sshll.u32 s1, $0x11  }
0xbb: {  	s0 =	sor.u32 s1, s0  }
0xbc: {  	s0 =	sadd.s32 $0x8F2B, s0  }
0xbd: {  	[sflag:s0] =	ssyncadd.remote.s32 $0x1  }
0xbe: {  	_ =	sfence.sel $0xFFFF  }
0xbf: {  	[dreg:$0x0] =	wrdreg $0xFFFFFFFF;
	(pc) =	sbr.abs _section_cstart, $3  }
0xc0: {  	[dreg:$0x1] =	wrdreg $0xFFFFFFFF  }
0xc1: {  	_ =	task.clear_ibuf [dreg:s7], $0x2FFFF;
	_ =	strace $0x9FFFFFFF  }
0xc2: {  	(tm) =	ssettm $0x7FFFFFFF  }
0xc3: {  	_ =	shalt  }
tec
execute0_lowered:
.L_overlay_start_1:
0x0: {  	(tag) =	ssettag $0x1  }
0x1: {  	s1 =	srdreg.scid;
	s2 =	rddreg [dreg:$0x0]  }
0x2: {  	s0 =	stileid.u32;
	s4 =	rddreg [dreg:$0x1];
	s19 =	simm.s32 $0x900  }
0x3: {  	s20 =	simm.s32 $0x1100;
	s21 =	simm.s32 $0x1900;
	s23 =	simm.s32 $0x2100  }
0x4: {  	s24 =	simm.s32 $0x2900;
	s25 =	simm.s32 $0x3100;
	s26 =	simm.s32 $0x3900  }
0x5: {  	s8 =	simm.s32 $0x4900;
	s9 =	simm.s32 $0x5100;
	s10 =	simm.s32 $0x5900  }
0x6: {  	s11 =	simm.s32 $0x6100;
	s12 =	simm.s32 $0x6900;
	s13 =	simm.s32 $0x7100  }
0x7: {  	s14 =	simm.s32 $0x7900;
	s1 =	sand.u32 $0x1, s1;
	s3 =	sshll.u32 s0, $0x1  }
0x8: {  	s15 =	simm.s32 $0x8100;
	s5 =	sor.u32 s1, s3;
	s3 =	simm.s32 $0x0  }
0x9: {  	s16 =	simm.s32 $0x8900;
	s17 =	simm.s32 $0x9100;
	[smem:$0x7FF] =	sst s3  }
0xa: {  	s28 =	simm.s32 $0xE100;
	_ =	strace $0x80000047;
	[dreg:$0x5] =	wrdreg s19  }
0xb: {  	s29 =	simm.s32 $0xE900;
	s30 =	simm.s32 $0xF100;
	[dreg:$0x6] =	wrdreg s20  }
0xc: {  	s31 =	simm.s32 $0xF900;
	s1 =	ssub.s32 $0x2, s1;
	[dreg:$0x7] =	wrdreg s21  }
0xd: {  	s6 =	sshll.u32 s5, $0x5;
	s5 =	sshll.u32 s5, $0xD;
	[dreg:$0x8] =	wrdreg s23  }
0xe: {  	s22 =	sshrl.u32 s1, $0x1;
	s6 =	sadd.s32 s6, s4;
	[dreg:$0x9] =	wrdreg s24  }
0xf: {  	s4 =	sadd.s32 s5, s4;
	s1 =	ssub.s32 s1, s22;
	[dreg:$0xa] =	wrdreg s25  }
0x10: {  	s5 =	simm.s32 $0x2;
	[dreg:$0xb] =	wrdreg s26;
	s19 =	simm.s32 $0xA100  }
0x11: {  	s20 =	simm.s32 $0xA900;
	s21 =	simm.s32 $0xB100;
	s22 =	simm.s32 $0xB900  }
0x12: {  	s23 =	simm.s32 $0xC100;
	s24 =	simm.s32 $0xC900;
	s18 =	sadd.s32 $0xA00, s6  }
0x13: {  	v2 =	vlaneseq.u32;
	s25 =	simm.s32 $0xD100;
	s4 =	sadd.s32 $0xE00, s4;
	[dreg:$0x3] =	wrdreg s18  }
0x14: {  	vm0 =	vmmov $0xffff;
	v1 =	vshrl.u32 v2, $0x3;
	s26 =	simm.s32 $0xD900;
	s6 =	simm.s32 $0x100;
	[dreg:$0x4] =	wrdreg s4  }
0x15: {  	v0 =	vand.u32 $0x7, v2;
	v2 =	vor.u32 $0x8, v2;
	v1 =	vmul.u32 $0x8, v1;
	s4 =	smax.u32 s1, $0x1;
	s18 =	simm.s32 $0x9900;
	s1 =	simm.s32 $0x1  }
.LBB2_1:
0x16: {  	s0 =	rddreg [dreg:$0x3]  }
0x17: {  	[tilespmem:s3], [sflag:$0x2] =	stream.linear.gather [hbm4b:s0+s3], $0x100, $0x38;
	[tilespmem:$0x10100] =	vst v63  }
0x18: {  	_ =	swait.ge [sflag:s5], $0x100  }
0x19: {  	[sflag:s5] =	ssyncset.done $0x0  }
0x1a: {  	[sflag:s5] =	ssyncadd.s32 $0xFFFFFF00  }
0x1b: {  	v3 =	vld [tilespmem:$0x0];
	_ =	sdelay $0x4  }
0x1c: {  	v4 =	vshll.u32 v3, $0x1  }
0x1d: {  	v3 =	vand.u32 $0x7, v3;
	v4 =	vand.u32 $0xFFFFFFF0, v4  }
0x1e: {  	v3 =	vor.u32 v3, v4  }
0x1f: {  	v4 =	vperm.xlane v3, v0;
	_ =	sdelay $0x1  }
0x20: {  	v3 =	vperm.xlane v3, v2;
	v4 =	vadd.s32 v1, v4;
	_ =	sdelay $0x1  }
0x21: {  	v3 =	vadd.s32 v1, v3;
	_ =	sdelay $0x2  }
0x22: {  	[tilespmem:s6], [sflag:$0x1] =	stream.indirect_vreg.gather [hbm4b:s2+s3], $0x80, v4, vm0, $0xb8;
	[tilespmem:$0x10100] =	vst v63  }
0x23: {  	s7 =	rddreg [dreg:$0x5]  }
0x24: {  	[tilespmem:s7], [sflag:$0x1] =	stream.indirect_vreg.gather [hbm4b:s2+s3], $0x80, v3, vm0, $0xb8;
	[tilespmem:$0x10100] =	vst v63  }
0x25: {  	v3 =	vld [tilespmem:$0x10];
	_ =	sdelay $0x4  }
0x26: {  	v49 =	vshll.u32 v3, $0x1  }
0x27: {  	v3 =	vand.u32 $0x7, v3;
	v4 =	vand.u32 $0xFFFFFFF0, v49  }
0x28: {  	v3 =	vor.u32 v3, v4  }
0x29: {  	v4 =	vperm.xlane v3, v0;
	_ =	sdelay $0x1  }
0x2a: {  	v3 =	vperm.xlane v3, v2;
	v4 =	vadd.s32 v1, v4;
	_ =	sdelay $0x1  }
0x2b: {  	v3 =	vadd.s32 v1, v3;
	_ =	sdelay $0x1  }
0x2c: {  	s0 =	rddreg [dreg:$0x6]  }
0x2d: {  	[tilespmem:s0], [sflag:$0x1] =	stream.indirect_vreg.gather [hbm4b:s2+s3], $0x80, v4, vm0, $0xb8;
	[tilespmem:$0x10100] =	vst v63  }
0x2e: {  	s7 =	rddreg [dreg:$0x7]  }
0x2f: {  	[tilespmem:s7], [sflag:$0x1] =	stream.indirect_vreg.gather [hbm4b:s2+s3], $0x80, v3, vm0, $0xb8;
	[tilespmem:$0x10100] =	vst v63  }
0x30: {  	v3 =	vld [tilespmem:$0x20];
	_ =	sdelay $0x4  }
0x31: {  	v50 =	vshll.u32 v3, $0x1  }
0x32: {  	v3 =	vand.u32 $0x7, v3;
	v4 =	vand.u32 $0xFFFFFFF0, v50  }
0x33: {  	v3 =	vor.u32 v3, v4  }
0x34: {  	v4 =	vperm.xlane v3, v0;
	_ =	sdelay $0x1  }
0x35: {  	v3 =	vperm.xlane v3, v2;
	v4 =	vadd.s32 v1, v4;
	_ =	sdelay $0x1  }
0x36: {  	v3 =	vadd.s32 v1, v3;
	_ =	sdelay $0x1  }
0x37: {  	s0 =	rddreg [dreg:$0x8]  }
0x38: {  	[tilespmem:s0], [sflag:$0x1] =	stream.indirect_vreg.gather [hbm4b:s2+s3], $0x80, v4, vm0, $0xb8;
	[tilespmem:$0x10100] =	vst v63  }
0x39: {  	s7 =	rddreg [dreg:$0x9]  }
0x3a: {  	[tilespmem:s7], [sflag:$0x1] =	stream.indirect_vreg.gather [hbm4b:s2+s3], $0x80, v3, vm0, $0xb8;
	[tilespmem:$0x10100] =	vst v63  }
0x3b: {  	v3 =	vld [tilespmem:$0x30];
	_ =	sdelay $0x4  }
0x3c: {  	v51 =	vshll.u32 v3, $0x1  }
0x3d: {  	v3 =	vand.u32 $0x7, v3;
	v4 =	vand.u32 $0xFFFFFFF0, v51  }
0x3e: {  	v3 =	vor.u32 v3, v4  }
0x3f: {  	v4 =	vperm.xlane v3, v0;
	_ =	sdelay $0x1  }
0x40: {  	v3 =	vperm.xlane v3, v2;
	v4 =	vadd.s32 v1, v4;
	_ =	sdelay $0x1  }
0x41: {  	v3 =	vadd.s32 v1, v3;
	_ =	sdelay $0x1  }
0x42: {  	s0 =	rddreg [dreg:$0xa]  }
0x43: {  	[tilespmem:s0], [sflag:$0x1] =	stream.indirect_vreg.gather [hbm4b:s2+s3], $0x80, v4, vm0, $0xb8;
	[tilespmem:$0x10100] =	vst v63  }
0x44: {  	s7 =	rddreg [dreg:$0xb]  }
0x45: {  	[tilespmem:s7], [sflag:$0x1] =	stream.indirect_vreg.gather [hbm4b:s2+s3], $0x80, v3, vm0, $0xb8;
	[tilespmem:$0x10100] =	vst v63  }
0x46: {  	v3 =	vld [tilespmem:$0x40];
	_ =	sdelay $0x4  }
0x47: {  	v52 =	vshll.u32 v3, $0x1  }
0x48: {  	v3 =	vand.u32 $0x7, v3;
	v4 =	vand.u32 $0xFFFFFFF0, v52  }
0x49: {  	v3 =	vor.u32 v3, v4  }
0x4a: {  	v4 =	vperm.xlane v3, v0;
	_ =	sdelay $0x1  }
0x4b: {  	v3 =	vperm.xlane v3, v2;
	v4 =	vadd.s32 v1, v4;
	_ =	sdelay $0x1  }
0x4c: {  	v3 =	vadd.s32 v1, v3;
	_ =	sdelay $0x1  }
0x4d: {  	s7 =	simm.s32 $0x4100  }
0x4e: {  	[tilespmem:s7], [sflag:$0x1] =	stream.indirect_vreg.gather [hbm4b:s2+s3], $0x80, v4, vm0, $0xb8;
	[tilespmem:$0x10100] =	vst v63  }
0x4f: {  	_ = 	snop  }
0x50: {  	[tilespmem:s8], [sflag:$0x1] =	stream.indirect_vreg.gather [hbm4b:s2+s3], $0x80, v3, vm0, $0xb8;
	[tilespmem:$0x10100] =	vst v63  }
0x51: {  	v3 =	vld [tilespmem:$0x50];
	_ =	sdelay $0x4  }
0x52: {  	v53 =	vshll.u32 v3, $0x1  }
0x53: {  	v3 =	vand.u32 $0x7, v3;
	v4 =	vand.u32 $0xFFFFFFF0, v53  }
0x54: {  	v3 =	vor.u32 v3, v4  }
0x55: {  	v4 =	vperm.xlane v3, v0;
	_ =	sdelay $0x1  }
0x56: {  	v3 =	vperm.xlane v3, v2;
	v4 =	vadd.s32 v1, v4;
	_ =	sdelay $0x1  }
0x57: {  	v3 =	vadd.s32 v1, v3;
	_ =	sdelay $0x2  }
0x58: {  	[tilespmem:s9], [sflag:$0x1] =	stream.indirect_vreg.gather [hbm4b:s2+s3], $0x80, v4, vm0, $0xb8;
	[tilespmem:$0x10100] =	vst v63  }
0x59: {  	_ = 	snop  }
0x5a: {  	[tilespmem:s10], [sflag:$0x1] =	stream.indirect_vreg.gather [hbm4b:s2+s3], $0x80, v3, vm0, $0xb8;
	[tilespmem:$0x10100] =	vst v63  }
0x5b: {  	v3 =	vld [tilespmem:$0x60];
	_ =	sdelay $0x4  }
0x5c: {  	v54 =	vshll.u32 v3, $0x1  }
0x5d: {  	v3 =	vand.u32 $0x7, v3;
	v4 =	vand.u32 $0xFFFFFFF0, v54  }
0x5e: {  	v3 =	vor.u32 v3, v4  }
0x5f: {  	v4 =	vperm.xlane v3, v0;
	_ =	sdelay $0x1  }
0x60: {  	v3 =	vperm.xlane v3, v2;
	v4 =	vadd.s32 v1, v4;
	_ =	sdelay $0x1  }
0x61: {  	v3 =	vadd.s32 v1, v3;
	_ =	sdelay $0x2  }
0x62: {  	[tilespmem:s11], [sflag:$0x1] =	stream.indirect_vreg.gather [hbm4b:s2+s3], $0x80, v4, vm0, $0xb8;
	[tilespmem:$0x10100] =	vst v63  }
0x63: {  	_ = 	snop  }
0x64: {  	[tilespmem:s12], [sflag:$0x1] =	stream.indirect_vreg.gather [hbm4b:s2+s3], $0x80, v3, vm0, $0xb8;
	[tilespmem:$0x10100] =	vst v63  }
0x65: {  	v3 =	vld [tilespmem:$0x70];
	_ =	sdelay $0x4  }
0x66: {  	v55 =	vshll.u32 v3, $0x1  }
0x67: {  	v3 =	vand.u32 $0x7, v3;
	v4 =	vand.u32 $0xFFFFFFF0, v55  }
0x68: {  	v3 =	vor.u32 v3, v4  }
0x69: {  	v4 =	vperm.xlane v3, v0;
	_ =	sdelay $0x1  }
0x6a: {  	v3 =	vperm.xlane v3, v2;
	v4 =	vadd.s32 v1, v4;
	_ =	sdelay $0x1  }
0x6b: {  	v3 =	vadd.s32 v1, v3;
	_ =	sdelay $0x2  }
0x6c: {  	[tilespmem:s13], [sflag:$0x1] =	stream.indirect_vreg.gather [hbm4b:s2+s3], $0x80, v4, vm0, $0xb8;
	[tilespmem:$0x10100] =	vst v63  }
0x6d: {  	_ = 	snop  }
0x6e: {  	[tilespmem:s14], [sflag:$0x1] =	stream.indirect_vreg.gather [hbm4b:s2+s3], $0x80, v3, vm0, $0xb8;
	[tilespmem:$0x10100] =	vst v63  }
0x6f: {  	v3 =	vld [tilespmem:$0x80];
	_ =	sdelay $0x4  }
0x70: {  	v56 =	vshll.u32 v3, $0x1  }
0x71: {  	v3 =	vand.u32 $0x7, v3;
	v4 =	vand.u32 $0xFFFFFFF0, v56  }
0x72: {  	v3 =	vor.u32 v3, v4  }
0x73: {  	v4 =	vperm.xlane v3, v0;
	_ =	sdelay $0x1  }
0x74: {  	v3 =	vperm.xlane v3, v2;
	v4 =	vadd.s32 v1, v4;
	_ =	sdelay $0x1  }
0x75: {  	v3 =	vadd.s32 v1, v3;
	_ =	sdelay $0x2  }
0x76: {  	[tilespmem:s15], [sflag:$0x1] =	stream.indirect_vreg.gather [hbm4b:s2+s3], $0x80, v4, vm0, $0xb8;
	[tilespmem:$0x10100] =	vst v63  }
0x77: {  	_ = 	snop  }
0x78: {  	[tilespmem:s16], [sflag:$0x1] =	stream.indirect_vreg.gather [hbm4b:s2+s3], $0x80, v3, vm0, $0xb8;
	[tilespmem:$0x10100] =	vst v63  }
0x79: {  	v3 =	vld [tilespmem:$0x90];
	_ =	sdelay $0x4  }
0x7a: {  	v57 =	vshll.u32 v3, $0x1  }
0x7b: {  	v3 =	vand.u32 $0x7, v3;
	v4 =	vand.u32 $0xFFFFFFF0, v57  }
0x7c: {  	v3 =	vor.u32 v3, v4  }
0x7d: {  	v4 =	vperm.xlane v3, v0;
	_ =	sdelay $0x1  }
0x7e: {  	v3 =	vperm.xlane v3, v2;
	v4 =	vadd.s32 v1, v4;
	_ =	sdelay $0x1  }
0x7f: {  	v3 =	vadd.s32 v1, v3;
	_ =	sdelay $0x2  }
0x80: {  	[tilespmem:s17], [sflag:$0x1] =	stream.indirect_vreg.gather [hbm4b:s2+s3], $0x80, v4, vm0, $0xb8;
	[tilespmem:$0x10100] =	vst v63  }
0x81: {  	_ = 	snop  }
0x82: {  	[tilespmem:s18], [sflag:$0x1] =	stream.indirect_vreg.gather [hbm4b:s2+s3], $0x80, v3, vm0, $0xb8;
	[tilespmem:$0x10100] =	vst v63  }
0x83: {  	v3 =	vld [tilespmem:$0xA0];
	_ =	sdelay $0x4  }
0x84: {  	v58 =	vshll.u32 v3, $0x1  }
0x85: {  	v3 =	vand.u32 $0x7, v3;
	v4 =	vand.u32 $0xFFFFFFF0, v58  }
0x86: {  	v3 =	vor.u32 v3, v4  }
0x87: {  	v4 =	vperm.xlane v3, v0;
	_ =	sdelay $0x1  }
0x88: {  	v3 =	vperm.xlane v3, v2;
	v4 =	vadd.s32 v1, v4;
	_ =	sdelay $0x1  }
0x89: {  	v3 =	vadd.s32 v1, v3;
	_ =	sdelay $0x2  }
0x8a: {  	[tilespmem:s19], [sflag:$0x1] =	stream.indirect_vreg.gather [hbm4b:s2+s3], $0x80, v4, vm0, $0xb8;
	[tilespmem:$0x10100] =	vst v63  }
0x8b: {  	_ = 	snop  }
0x8c: {  	[tilespmem:s20], [sflag:$0x1] =	stream.indirect_vreg.gather [hbm4b:s2+s3], $0x80, v3, vm0, $0xb8;
	[tilespmem:$0x10100] =	vst v63  }
0x8d: {  	v3 =	vld [tilespmem:$0xB0];
	_ =	sdelay $0x4  }
0x8e: {  	v59 =	vshll.u32 v3, $0x1  }
0x8f: {  	v3 =	vand.u32 $0x7, v3;
	v4 =	vand.u32 $0xFFFFFFF0, v59  }
0x90: {  	v3 =	vor.u32 v3, v4  }
0x91: {  	v4 =	vperm.xlane v3, v0;
	_ =	sdelay $0x1  }
0x92: {  	v3 =	vperm.xlane v3, v2;
	v4 =	vadd.s32 v1, v4;
	_ =	sdelay $0x1  }
0x93: {  	v3 =	vadd.s32 v1, v3;
	_ =	sdelay $0x2  }
0x94: {  	[tilespmem:s21], [sflag:$0x1] =	stream.indirect_vreg.gather [hbm4b:s2+s3], $0x80, v4, vm0, $0xb8;
	[tilespmem:$0x10100] =	vst v63  }
0x95: {  	_ = 	snop  }
0x96: {  	[tilespmem:s22], [sflag:$0x1] =	stream.indirect_vreg.gather [hbm4b:s2+s3], $0x80, v3, vm0, $0xb8;
	[tilespmem:$0x10100] =	vst v63  }
0x97: {  	v3 =	vld [tilespmem:$0xC0];
	_ =	sdelay $0x4  }
0x98: {  	v60 =	vshll.u32 v3, $0x1  }
0x99: {  	v3 =	vand.u32 $0x7, v3;
	v4 =	vand.u32 $0xFFFFFFF0, v60  }
0x9a: {  	v3 =	vor.u32 v3, v4  }
0x9b: {  	v4 =	vperm.xlane v3, v0;
	_ =	sdelay $0x1  }
0x9c: {  	v3 =	vperm.xlane v3, v2;
	v4 =	vadd.s32 v1, v4;
	_ =	sdelay $0x1  }
0x9d: {  	v3 =	vadd.s32 v1, v3;
	_ =	sdelay $0x2  }
0x9e: {  	[tilespmem:s23], [sflag:$0x1] =	stream.indirect_vreg.gather [hbm4b:s2+s3], $0x80, v4, vm0, $0xb8;
	[tilespmem:$0x10100] =	vst v63  }
0x9f: {  	_ = 	snop  }
0xa0: {  	[tilespmem:s24], [sflag:$0x1] =	stream.indirect_vreg.gather [hbm4b:s2+s3], $0x80, v3, vm0, $0xb8;
	[tilespmem:$0x10100] =	vst v63  }
0xa1: {  	v3 =	vld [tilespmem:$0xD0];
	_ =	sdelay $0x4  }
0xa2: {  	v61 =	vshll.u32 v3, $0x1  }
0xa3: {  	v3 =	vand.u32 $0x7, v3;
	v4 =	vand.u32 $0xFFFFFFF0, v61  }
0xa4: {  	v3 =	vor.u32 v3, v4  }
0xa5: {  	v4 =	vperm.xlane v3, v0;
	_ =	sdelay $0x1  }
0xa6: {  	v3 =	vperm.xlane v3, v2;
	v4 =	vadd.s32 v1, v4;
	_ =	sdelay $0x1  }
0xa7: {  	v3 =	vadd.s32 v1, v3;
	_ =	sdelay $0x2  }
0xa8: {  	[tilespmem:s25], [sflag:$0x1] =	stream.indirect_vreg.gather [hbm4b:s2+s3], $0x80, v4, vm0, $0xb8;
	[tilespmem:$0x10100] =	vst v63  }
0xa9: {  	_ = 	snop  }
0xaa: {  	[tilespmem:s26], [sflag:$0x1] =	stream.indirect_vreg.gather [hbm4b:s2+s3], $0x80, v3, vm0, $0xb8;
	[tilespmem:$0x10100] =	vst v63  }
0xab: {  	v3 =	vld [tilespmem:$0xE0];
	_ =	sdelay $0x4  }
0xac: {  	v62 =	vshll.u32 v3, $0x1  }
0xad: {  	v3 =	vand.u32 $0x7, v3;
	v4 =	vand.u32 $0xFFFFFFF0, v62  }
0xae: {  	v3 =	vor.u32 v3, v4  }
0xaf: {  	v4 =	vperm.xlane v3, v0;
	_ =	sdelay $0x1  }
0xb0: {  	v3 =	vperm.xlane v3, v2;
	v4 =	vadd.s32 v1, v4;
	_ =	sdelay $0x1  }
0xb1: {  	v3 =	vadd.s32 v1, v3;
	_ =	sdelay $0x2  }
0xb2: {  	[tilespmem:s28], [sflag:$0x1] =	stream.indirect_vreg.gather [hbm4b:s2+s3], $0x80, v4, vm0, $0xb8;
	[tilespmem:$0x10100] =	vst v63  }
0xb3: {  	_ = 	snop  }
0xb4: {  	[tilespmem:s29], [sflag:$0x1] =	stream.indirect_vreg.gather [hbm4b:s2+s3], $0x80, v3, vm0, $0xb8;
	[tilespmem:$0x10100] =	vst v63  }
0xb5: {  	v3 =	vld [tilespmem:$0xF0];
	_ =	sdelay $0x4  }
0xb6: {  	v63 =	vshll.u32 v3, $0x1  }
0xb7: {  	v3 =	vand.u32 $0x7, v3;
	v4 =	vand.u32 $0xFFFFFFF0, v63  }
0xb8: {  	v3 =	vor.u32 v3, v4  }
0xb9: {  	v4 =	vperm.xlane v3, v0;
	_ =	sdelay $0x1  }
0xba: {  	v3 =	vperm.xlane v3, v2;
	v4 =	vadd.s32 v1, v4;
	_ =	sdelay $0x1  }
0xbb: {  	v3 =	vadd.s32 v1, v3;
	_ =	sdelay $0x2  }
0xbc: {  	[tilespmem:s30], [sflag:$0x1] =	stream.indirect_vreg.gather [hbm4b:s2+s3], $0x80, v4, vm0, $0xb8;
	[tilespmem:$0x10100] =	vst v63  }
0xbd: {  	_ = 	snop  }
0xbe: {  	[tilespmem:s31], [sflag:$0x1] =	stream.indirect_vreg.gather [hbm4b:s2+s3], $0x80, v3, vm0, $0xb8;
	[tilespmem:$0x10100] =	vst v63  }
0xbf: {  	_ =	swait.ge [sflag:s1], $0x8000  }
0xc0: {  	[sflag:s1] =	ssyncset.done $0x0  }
0xc1: {  	[sflag:s1] =	ssyncadd.s32 $0xFFFF8000  }
0xc2: {  	_ =	swait.ge [sflag:s1], $0x8000  }
0xc3: {  	p0 =	sne.s32 s4, $0x1;
	[sflag:s1] =	ssyncset.done $0x0  }
.Ltmp0:
0xc4: {  	s7 =	rddreg [dreg:$0x4];
	[sflag:s1] =	ssyncadd.s32 $0xFFFF8000;
	(pc) =	sbr.rel @p0 .LBB2_1-.Ltmp0, $4  }
0xc5: {  	[hbm4b:s7+s3] =	stream.linear.scatter [tilespmem:s6], [sflag:$0x2], $0x10000, $0x38;
	[tilespmem:$0x10100] =	vst v63  }
0xc6: {  	_ =	swait.ge [sflag:s5], $0x10000  }
0xc7: {  	[sflag:s5] =	ssyncset.done $0x0  }
0xc8: {  	s4 =	sadd.s32 $0xFFFFFFFF, s4;
	[sflag:s5] =	ssyncadd.s32 $0xFFFF0000  }
0xc9: {  	_ =	sfence.sel $0x180000  }
0xca: {  	[bflag:$0x0] =	sbarrier.arrive $0xFFFF  }
0xcb: {  	_ =	strace $0x90000047  }
0xcc: {  	s0 =	stileid.u32;
	[bflag:$0x2] =	sbarrier.arrive $0xFFFF  }
0xcd: {  	p0 =	sne.s32 s0, $0x0;
	s0 =	rddreg [dreg:$0x2]  }
0xce: {  	s0 =	sadd.s32 @!p0 $0x100000, s0  }
0xcf: {  	[sflag:s0] =	ssyncadd.tile.s32 @!p0 $0x1;
	_ =	shalt  }
.Lfunc_end2:
_tile_overlayer_lowered:
.L_overlay_start_2:
0xd0: {  	(tag) =	ssettag $0x2  }
0xd1: {  	s0 =	rddreg [dreg:$0x0];
	s2 =	stileid.u32  }
0xd2: {  	s1 =	rddreg [dreg:$0x1];
	p0 =	sne.s32 s2, $0x0  }
0xd3: {  	s3 =	rddreg [dreg:$0x2];
	[bflag:$0x3] =	sbarrier.arrive $0xFFFF;
	s2 =	simm.s32 @!p0 $0x1C02  }
0xd4: {  	[timem:s3], [sflag:s2] =	dma.local @!p0 [hbm:s0], s1  }
0xd5: {  	s0 =	simm.s32 @!p0 $0x2  }
0xd6: {  	_ =	swait.ge @!p0 [sflag:s0], s1  }
0xd7: {  	s1 =	ssub.s32 @!p0 $0x0, s1;
	[sflag:s0] =	ssyncset.done @!p0 $0x0  }
0xd8: {  	[sflag:s0] =	ssyncadd.s32 @!p0 s1  }
0xd9: {  	[bflag:$0x3] =	sbarrier.arrive $0xFFFF  }
0xda: {  	_ =	shalt  }

</sc_bundles>
